<compile_context>
chip_gen: v7x
topology: tpu7x:2x2x1
jax: 0.10.2.dev20260603
libtpu: 0.0.44.dev20260713+nightly
codegen_flags: <defaults>
</compile_context>

<pallas_src>
import functools

import jax
import jax.numpy as jnp
from jax import lax
from jax.experimental import pallas as pl
from jax.experimental.pallas import tpu as pltpu
from jax.experimental.pallas import tpu_sc as plsc

N = 10000
E = 320000
G = 64
D_IN = 128
H = 32

NC = 2
NS = 16
TILES = NC * NS
CHW = 128
PER = E // TILES
CH = -(-PER // CHW)
PERP = CH * CHW
NP = N + 112
ROWS = NP // NS

_mesh = plsc.VectorSubcoreMesh(core_axis_name="c", subcore_axis_name="s")


@functools.partial(
    pl.kernel,
    mesh=_mesh,
    out_type=jax.ShapeDtypeStruct((TILES, NP), jnp.float32),
    scratch_types=[
        pltpu.VMEM((PERP,), jnp.int32),
        pltpu.VMEM((NP,), jnp.float32),
    ],
    compiler_params=pltpu.CompilerParams(needs_layout_passes=False,
                                         use_tc_tiling_on_sc=False),
)
def _deg_kernel(dst_hbm, out_hbm, idx_v, deg_v):
    c = lax.axis_index("c")
    s = lax.axis_index("s")
    w = s * NC + c
    pltpu.sync_copy(dst_hbm.at[w], idx_v)
    zero16 = jnp.zeros((16,), jnp.float32)
    one16 = jnp.ones((16,), jnp.float32)

    def zb(i, carry):
        deg_v[pl.ds(i * 16, 16)] = zero16
        return carry

    lax.fori_loop(0, NP // 16, zb, 0, unroll=8)

    def sb(i, carry):
        idx = idx_v[pl.ds(i * 16, 16)]
        plsc.addupdate_scatter(deg_v, [idx], one16)
        return carry

    lax.fori_loop(0, PERP // 16, sb, 0, unroll=8)
    pltpu.sync_copy(deg_v, out_hbm.at[w])


@functools.partial(
    pl.kernel,
    mesh=_mesh,
    out_type=jax.ShapeDtypeStruct((NC, NP, H), jnp.float32),
    scratch_types=[
        pltpu.VMEM((CH, CHW), jnp.int32),
        pltpu.VMEM((CH, CHW), jnp.int32),
        pltpu.VMEM((CHW, H), jnp.float32),
        pltpu.VMEM((CHW, H), jnp.float32),
        pltpu.VMEM((CHW, H), jnp.float32),
        pltpu.VMEM((CHW, H), jnp.float32),
        pltpu.VMEM((CHW, H), jnp.float32),
        pltpu.VMEM((CHW, H), jnp.float32),
        pltpu.VMEM((CHW, H), jnp.float32),
        pltpu.VMEM((CHW, H), jnp.float32),
        pltpu.VMEM_SHARED((NP, H), jnp.float32),
        pltpu.SemaphoreType.DMA,
        pltpu.SemaphoreType.DMA,
        pltpu.SemaphoreType.DMA,
        pltpu.SemaphoreType.DMA,
        pltpu.SemaphoreType.DMA,
        pltpu.SemaphoreType.DMA,
        pltpu.SemaphoreType.DMA,
        pltpu.SemaphoreType.DMA,
    ],
    compiler_params=pltpu.CompilerParams(needs_layout_passes=False,
                                         use_tc_tiling_on_sc=False),
)
def _scatter_kernel(hp_hbm, src_hbm, dst_hbm, out_hbm,
                    src_v, dst_v, buf_a, buf_b, buf_c, buf_d,
                    buf_e, buf_f, buf_g, buf_h, s_sh,
                    sem_a, sem_b, sem_c, sem_d,
                    sem_e, sem_f, sem_g, sem_h):
    c = lax.axis_index("c")
    s = lax.axis_index("s")
    w = s * NC + c
    pltpu.sync_copy(src_hbm.at[w], src_v)
    pltpu.sync_copy(dst_hbm.at[w], dst_v)
    zero16 = jnp.zeros((16,), jnp.float32)

    def zb(i, carry):
        buf_a[i // (H // 16), pl.ds((i % (H // 16)) * 16, 16)] = zero16
        return carry

    lax.fori_loop(0, CHW * H // 16, zb, 0, unroll=8)
    for p in range(4):
        pltpu.sync_copy(buf_a, s_sh.at[pl.ds(s * ROWS + p * CHW, CHW)])
    pltpu.sync_copy(buf_a.at[pl.ds(0, ROWS - 4 * CHW)],
                    s_sh.at[pl.ds(s * ROWS + 4 * CHW, ROWS - 4 * CHW)])
    plsc.subcore_barrier()

    bufs = (buf_a, buf_b, buf_c, buf_d, buf_e, buf_f, buf_g, buf_h)
    sems = (sem_a, sem_b, sem_c, sem_d, sem_e, sem_f, sem_g, sem_h)
    DEPTH = 8
    for p in range(DEPTH - 1):
        pltpu.async_copy(hp_hbm.at[src_v.at[p]], bufs[p], sems[p])

    def body(j, carry):
        slot = j % DEPTH
        nxt = j + DEPTH - 1
        for p in range(DEPTH):
            @pl.when(jnp.logical_and(nxt < CH, slot == p))
            def _(p=p):
                pltpu.async_copy(hp_hbm.at[src_v.at[nxt]],
                                 bufs[(p + DEPTH - 1) % DEPTH],
                                 sems[(p + DEPTH - 1) % DEPTH])
        for p in range(DEPTH):
            @pl.when(slot == p)
            def _(p=p):
                pltpu.make_async_copy(hp_hbm.at[src_v.at[j]],
                                      bufs[p], sems[p]).wait()
                pltpu.sync_copy(bufs[p], s_sh.at[dst_v.at[j]], add=True)
        return carry

    lax.fori_loop(0, CH, body, 0)
    plsc.subcore_barrier()
    pltpu.sync_copy(s_sh.at[pl.ds(s * ROWS, ROWS)],
                    out_hbm.at[c, pl.ds(s * ROWS, ROWS)])


def _matmul_body(x_ref, w1_ref, h_ref):
    h_ref[...] = jnp.dot(x_ref[...], w1_ref[...],
                         preferred_element_type=jnp.float32)


def _scale_body(h_ref, degp_ref, hp_ref, dinv_ref):
    deg = jnp.sum(degp_ref[...], axis=0)[:N] + 1.0
    dinv = lax.rsqrt(deg)
    hp_ref[...] = h_ref[...] * dinv[:, None]
    dinv_ref[...] = dinv[:, None]


def _head_body(sp_ref, hp_ref, dinv_ref, b1_ref, bn1g_ref, bn1b_ref,
               batch_ref, fc1w_ref, fc1b_ref, bnfg_ref, bnfb_ref,
               fc2w_ref, fc2b_ref, out_ref):
    sagg = sp_ref[0, :N, :] + sp_ref[1, :N, :]
    h1 = (sagg + hp_ref[...]) * dinv_ref[...] + b1_ref[...]
    mean = jnp.mean(h1, axis=0, keepdims=True)
    var = jnp.mean((h1 - mean) ** 2, axis=0, keepdims=True)
    h1 = bn1g_ref[...] * (h1 - mean) * lax.rsqrt(var + 1e-5) + bn1b_ref[...]
    h1 = jnp.maximum(h1, 0.0)
    rows = lax.broadcasted_iota(jnp.int32, (G, N), 0)
    onehot = jnp.where(rows == batch_ref[...], 1.0, 0.0)
    sums = jnp.dot(onehot, h1, preferred_element_type=jnp.float32,
                   precision=lax.Precision.HIGHEST)
    cnt = jnp.sum(onehot, axis=1, keepdims=True)
    pooled = sums / jnp.maximum(cnt, 1.0)
    z = jnp.dot(pooled, fc1w_ref[...],
                preferred_element_type=jnp.float32) + fc1b_ref[...]
    m2 = jnp.mean(z, axis=0, keepdims=True)
    v2 = jnp.mean((z - m2) ** 2, axis=0, keepdims=True)
    z = bnfg_ref[...] * (z - m2) * lax.rsqrt(v2 + 1e-5) + bnfb_ref[...]
    z = jnp.maximum(z, 0.0)
    out_ref[...] = jnp.dot(z, fc2w_ref[...],
                           preferred_element_type=jnp.float32) + fc2b_ref[...]


def kernel(x, edge_index, batch, W1, b1, bn1_g, bn1_b, fc1_W, fc1_b,
           bnf_g, bnf_b, fc2_W, fc2_b):
    src = edge_index[0]
    dst = edge_index[1]
    pad = TILES * PERP - E
    srcp = jnp.concatenate([src, jnp.zeros((pad,), jnp.int32)])
    dstp = jnp.concatenate([dst, jnp.full((pad,), N, jnp.int32)])
    srcb = srcp.reshape(TILES, CH, CHW)
    dstb = dstp.reshape(TILES, CH, CHW)
    dsta = dstp.reshape(TILES, PERP)

    h = pl.pallas_call(
        _matmul_body,
        out_shape=jax.ShapeDtypeStruct((N, H), jnp.float32),
    )(x, W1)
    degp = _deg_kernel(dsta)

    hp, dinv = pl.pallas_call(
        _scale_body,
        out_shape=[jax.ShapeDtypeStruct((N, H), jnp.float32),
                   jax.ShapeDtypeStruct((N, 1), jnp.float32)],
    )(h, degp)

    sp = _scatter_kernel(hp, srcb, dstb)

    out = pl.pallas_call(
        _head_body,
        out_shape=jax.ShapeDtypeStruct((G, 1), jnp.float32),
    )(sp, hp, dinv, b1.reshape(1, H), bn1_g.reshape(1, H),
      bn1_b.reshape(1, H), batch.reshape(1, N), fc1_W,
      fc1_b.reshape(1, H), bnf_g.reshape(1, H), bnf_b.reshape(1, H),
      fc2_W, fc2_b.reshape(1, 1))
    return out[:, 0]

# --- scband reference (transcript-rebuilt; emitter-appended) ---
"""Pipeline reference for scband-gnnyield-876173328577 (READ-ONLY COPY).

The authoritative reference and input builder live on the scoring server;
editing this copy changes nothing except your own understanding.
"""

import jax, jax.numpy as jnp
import numpy as np

N = 10000
E = 320000
G = 64
D_IN = 128
H = 32


def setup_inputs(seed: int = 0) -> dict:
    key = jax.random.key(seed)
    ks = jax.random.split(key, 14)
    x = jax.random.normal(ks[0], (N, D_IN), dtype=jnp.float32)
    edge_index = jax.random.randint(ks[1], (2, E), 0, N, dtype=jnp.int32)
    batch = jnp.sort(jax.random.randint(ks[2], (N,), 0, G, dtype=jnp.int32))
    W1 = jax.random.normal(ks[3], (D_IN, H), dtype=jnp.float32) * (1.0 / np.sqrt(D_IN))
    b1 = jnp.zeros((H,), dtype=jnp.float32)
    bn1_g = jnp.ones((H,), dtype=jnp.float32)
    bn1_b = jnp.zeros((H,), dtype=jnp.float32)
    fc1_W = jax.random.normal(ks[4], (H, H), dtype=jnp.float32) * (1.0 / np.sqrt(H))
    fc1_b = jnp.zeros((H,), dtype=jnp.float32)
    bnf_g = jnp.ones((H,), dtype=jnp.float32)
    bnf_b = jnp.zeros((H,), dtype=jnp.float32)
    fc2_W = jax.random.normal(ks[5], (H, 1), dtype=jnp.float32) * (1.0 / np.sqrt(H))
    fc2_b = jnp.zeros((1,), dtype=jnp.float32)
    return {"x": x, "edge_index": edge_index, "batch": batch, "W1": W1, "b1": b1,
            "bn1_g": bn1_g, "bn1_b": bn1_b, "fc1_W": fc1_W, "fc1_b": fc1_b,
            "bnf_g": bnf_g, "bnf_b": bnf_b, "fc2_W": fc2_W, "fc2_b": fc2_b}


def _batch_norm(h, g, b, eps=1e-5):
    mean = jnp.mean(h, axis=0)
    var = jnp.var(h, axis=0)
    return g * (h - mean) / jnp.sqrt(var + eps) + b


def _gcn_conv(x, edge_index, W, b):
    n = x.shape[0]
    src = edge_index[0]
    dst = edge_index[1]
    loop = jnp.arange(n, dtype=src.dtype)
    src = jnp.concatenate([src, loop])
    dst = jnp.concatenate([dst, loop])
    deg = jnp.zeros((n,), x.dtype).at[dst].add(1.0)
    dinv = jnp.where(deg > 0, 1.0 / jnp.sqrt(deg), 0.0)
    norm = dinv[src] * dinv[dst]
    h = x @ W
    msg = h[src] * norm[:, None]
    out = jnp.zeros((n, h.shape[1]), h.dtype).at[dst].add(msg)
    return out + b


def reference(x, edge_index, batch, W1, b1, bn1_g, bn1_b, fc1_W, fc1_b, bnf_g, bnf_b, fc2_W, fc2_b):
    h = _gcn_conv(x, edge_index, W1, b1)
    h = jax.nn.relu(_batch_norm(h, bn1_g, bn1_b))
    # global mean pool over graph ids
    sums = jax.ops.segment_sum(h, batch, num_segments=G)
    cnt = jax.ops.segment_sum(jnp.ones((h.shape[0],), h.dtype), batch, num_segments=G)
    pooled = sums / jnp.clip(cnt, 1.0)[:, None]
    h = jax.nn.relu(_batch_norm(pooled @ fc1_W + fc1_b, bnf_g, bnf_b))
    # dropout is identity in deterministic/eval reference
    out = h @ fc2_W + fc2_b
    return out.squeeze(-1)

if __name__ == "__main__":
    import jax
    _d = setup_inputs()
    print(jax.jit(kernel)(*tuple(_d.values())))

</pallas_src>

<mosaic_0001>
#map = affine_map<(d0, d1) -> (0, 0)>
module attributes {stable_mosaic.version = 14 : i64} {
  func.func @_deg_kernel(%arg0: i32, %arg1: i32, %arg2: memref<32x10112xi32, #tpu.memory_space<hbm>>, %arg3: memref<32x10112xf32, #tpu.memory_space<hbm>>, %arg4: memref<10112xi32, #tpu.memory_space<vmem>>, %arg5: memref<10112xf32, #tpu.memory_space<vmem>>) attributes {dimension_semantics = [#tpu.dimension_semantics<core_parallel>, #tpu.dimension_semantics<subcore_parallel>], iteration_bounds = array<i64: 2, 16>, scalar_prefetch = 0 : i64, scratch_operands = 2 : i64, tpu.core_type = #tpu.core_type<sc_vector_subcore>, window_params = [{transform_indices = #map}, {transform_indices = #map}]} {
    %mul3A = arith.constant 2 : i32
    %mul3A_0 = arith.muli %arg1, %mul3A : i32
    %add3A = arith.addi %mul3A_0, %arg0 : i32
    "tpu.region"() ({
      %run_scoped3A = tpu.sem_alloc : memref<!tpu.dma_semaphore, #tpu.memory_space<semaphore_mem>>
      %dma_start3A = arith.constant 0 : i32
      %dma_start3A_15 = tpu.memref_slice %arg2[%add3A, %dma_start3A] : memref<32x10112xi32, #tpu.memory_space<hbm>> -> memref<1x10112xi32, #tpu.memory_space<hbm>>
      %dma_start3A_16 = tpu.memref_squeeze %dma_start3A_15 : memref<1x10112xi32, #tpu.memory_space<hbm>> -> memref<10112xi32, #tpu.memory_space<hbm>>
      %dma_start3A_17 = arith.constant 0 : i32
      %dma_start3A_18 = tpu.memref_slice %arg2[%add3A, %dma_start3A_17] : memref<32x10112xi32, #tpu.memory_space<hbm>> -> memref<1x10112xi32, #tpu.memory_space<hbm>>
      %dma_start3A_19 = tpu.memref_squeeze %dma_start3A_18 : memref<1x10112xi32, #tpu.memory_space<hbm>> -> memref<10112xi32, #tpu.memory_space<hbm>>
      tpu.enqueue_dma source(%dma_start3A_19 : memref<10112xi32, #tpu.memory_space<hbm>>) target(%arg4 : memref<10112xi32, #tpu.memory_space<vmem>>) target_semaphore(%run_scoped3A : memref<!tpu.dma_semaphore, #tpu.memory_space<semaphore_mem>>)
      %dma_wait3A = arith.constant 0 : i32
      %dma_wait3A_20 = tpu.memref_slice %arg2[%add3A, %dma_wait3A] : memref<32x10112xi32, #tpu.memory_space<hbm>> -> memref<1x10112xi32, #tpu.memory_space<hbm>>
      %dma_wait3A_21 = tpu.memref_squeeze %dma_wait3A_20 : memref<1x10112xi32, #tpu.memory_space<hbm>> -> memref<10112xi32, #tpu.memory_space<hbm>>
      %dma_wait3A_22 = arith.constant 0 : i32
      %dma_wait3A_23 = tpu.memref_slice %arg2[%add3A, %dma_wait3A_22] : memref<32x10112xi32, #tpu.memory_space<hbm>> -> memref<1x10112xi32, #tpu.memory_space<hbm>>
      %dma_wait3A_24 = tpu.memref_squeeze %dma_wait3A_23 : memref<1x10112xi32, #tpu.memory_space<hbm>> -> memref<10112xi32, #tpu.memory_space<hbm>>
      tpu.wait_dma2 semaphore(%run_scoped3A : memref<!tpu.dma_semaphore, #tpu.memory_space<semaphore_mem>>) src(%dma_wait3A_24 : memref<10112xi32, #tpu.memory_space<hbm>>) dst(%arg4 : memref<10112xi32, #tpu.memory_space<vmem>>)
      tpu.yield
    }) : () -> ()
    %broadcast_in_dim3A = arith.constant 0.000000e+00 : f32
    %broadcast_in_dim3A_1 = vector.broadcast %broadcast_in_dim3A : f32 to vector<16xf32>
    %broadcast_in_dim3A_2 = arith.constant 1.000000e+00 : f32
    %broadcast_in_dim3A_3 = vector.broadcast %broadcast_in_dim3A_2 : f32 to vector<16xf32>
    %scan3A = arith.constant 0 : i32
    %scan3A_4 = arith.constant 0 : i32
    %scan3A_5 = arith.constant 632 : i32
    %scan3A_6 = arith.addi %scan3A_4, %scan3A_5 : i32
    %scan3A_7 = arith.constant 8 : i32
    scf.for %scan3A_15 = %scan3A_4 to %scan3A_6 step %scan3A_7  : i32 {
      %mul3A_16 = arith.constant 16 : i32
      %mul3A_17 = arith.muli %scan3A_15, %mul3A_16 : i32
      %swap3A = arith.index_cast %mul3A_17 : i32 to index
      %swap3A_18 = tpu.vector_load %arg5[%swap3A] {strides = array<i32>} : memref<10112xf32, #tpu.memory_space<vmem>>, vector<16xf32>,
      tpu.vector_store %arg5[%swap3A], %broadcast_in_dim3A_1 {strides = array<i32>} : memref<10112xf32, #tpu.memory_space<vmem>>, vector<16xf32>,
      %scan3A_19 = arith.constant 1 : i32
      %scan3A_20 = arith.addi %scan3A_15, %scan3A_19 : i32
      %mul3A_21 = arith.constant 16 : i32
      %mul3A_22 = arith.muli %scan3A_20, %mul3A_21 : i32
      %swap3A_23 = arith.index_cast %mul3A_22 : i32 to index
      %swap3A_24 = tpu.vector_load %arg5[%swap3A_23] {strides = array<i32>} : memref<10112xf32, #tpu.memory_space<vmem>>, vector<16xf32>,
      tpu.vector_store %arg5[%swap3A_23], %broadcast_in_dim3A_1 {strides = array<i32>} : memref<10112xf32, #tpu.memory_space<vmem>>, vector<16xf32>,
      %scan3A_25 = arith.constant 2 : i32
      %scan3A_26 = arith.addi %scan3A_15, %scan3A_25 : i32
      %mul3A_27 = arith.constant 16 : i32
      %mul3A_28 = arith.muli %scan3A_26, %mul3A_27 : i32
      %swap3A_29 = arith.index_cast %mul3A_28 : i32 to index
      %swap3A_30 = tpu.vector_load %arg5[%swap3A_29] {strides = array<i32>} : memref<10112xf32, #tpu.memory_space<vmem>>, vector<16xf32>,
      tpu.vector_store %arg5[%swap3A_29], %broadcast_in_dim3A_1 {strides = array<i32>} : memref<10112xf32, #tpu.memory_space<vmem>>, vector<16xf32>,
      %scan3A_31 = arith.constant 3 : i32
      %scan3A_32 = arith.addi %scan3A_15, %scan3A_31 : i32
      %mul3A_33 = arith.constant 16 : i32
      %mul3A_34 = arith.muli %scan3A_32, %mul3A_33 : i32
      %swap3A_35 = arith.index_cast %mul3A_34 : i32 to index
      %swap3A_36 = tpu.vector_load %arg5[%swap3A_35] {strides = array<i32>} : memref<10112xf32, #tpu.memory_space<vmem>>, vector<16xf32>,
      tpu.vector_store %arg5[%swap3A_35], %broadcast_in_dim3A_1 {strides = array<i32>} : memref<10112xf32, #tpu.memory_space<vmem>>, vector<16xf32>,
      %scan3A_37 = arith.constant 4 : i32
      %scan3A_38 = arith.addi %scan3A_15, %scan3A_37 : i32
      %mul3A_39 = arith.constant 16 : i32
      %mul3A_40 = arith.muli %scan3A_38, %mul3A_39 : i32
      %swap3A_41 = arith.index_cast %mul3A_40 : i32 to index
      %swap3A_42 = tpu.vector_load %arg5[%swap3A_41] {strides = array<i32>} : memref<10112xf32, #tpu.memory_space<vmem>>, vector<16xf32>,
      tpu.vector_store %arg5[%swap3A_41], %broadcast_in_dim3A_1 {strides = array<i32>} : memref<10112xf32, #tpu.memory_space<vmem>>, vector<16xf32>,
      %scan3A_43 = arith.constant 5 : i32
      %scan3A_44 = arith.addi %scan3A_15, %scan3A_43 : i32
      %mul3A_45 = arith.constant 16 : i32
      %mul3A_46 = arith.muli %scan3A_44, %mul3A_45 : i32
      %swap3A_47 = arith.index_cast %mul3A_46 : i32 to index
      %swap3A_48 = tpu.vector_load %arg5[%swap3A_47] {strides = array<i32>} : memref<10112xf32, #tpu.memory_space<vmem>>, vector<16xf32>,
      tpu.vector_store %arg5[%swap3A_47], %broadcast_in_dim3A_1 {strides = array<i32>} : memref<10112xf32, #tpu.memory_space<vmem>>, vector<16xf32>,
      %scan3A_49 = arith.constant 6 : i32
      %scan3A_50 = arith.addi %scan3A_15, %scan3A_49 : i32
      %mul3A_51 = arith.constant 16 : i32
      %mul3A_52 = arith.muli %scan3A_50, %mul3A_51 : i32
      %swap3A_53 = arith.index_cast %mul3A_52 : i32 to index
      %swap3A_54 = tpu.vector_load %arg5[%swap3A_53] {strides = array<i32>} : memref<10112xf32, #tpu.memory_space<vmem>>, vector<16xf32>,
      tpu.vector_store %arg5[%swap3A_53], %broadcast_in_dim3A_1 {strides = array<i32>} : memref<10112xf32, #tpu.memory_space<vmem>>, vector<16xf32>,
      %scan3A_55 = arith.constant 7 : i32
      %scan3A_56 = arith.addi %scan3A_15, %scan3A_55 : i32
      %mul3A_57 = arith.constant 16 : i32
      %mul3A_58 = arith.muli %scan3A_56, %mul3A_57 : i32
      %swap3A_59 = arith.index_cast %mul3A_58 : i32 to index
      %swap3A_60 = tpu.vector_load %arg5[%swap3A_59] {strides = array<i32>} : memref<10112xf32, #tpu.memory_space<vmem>>, vector<16xf32>,
      tpu.vector_store %arg5[%swap3A_59], %broadcast_in_dim3A_1 {strides = array<i32>} : memref<10112xf32, #tpu.memory_space<vmem>>, vector<16xf32>,
    }
    %scan3A_8 = arith.constant 632 : i32
    %scan3A_9 = arith.constant 0 : i32
    %scan3A_10 = arith.constant 0 : i32
    %scan3A_11 = arith.constant 632 : i32
    %scan3A_12 = arith.addi %scan3A_10, %scan3A_11 : i32
    %scan3A_13 = arith.constant 8 : i32
    scf.for %scan3A_15 = %scan3A_10 to %scan3A_12 step %scan3A_13  : i32 {
      %mul3A_16 = arith.constant 16 : i32
      %mul3A_17 = arith.muli %scan3A_15, %mul3A_16 : i32
      %get3A = arith.index_cast %mul3A_17 : i32 to index
      %get3A_18 = tpu.vector_load %arg4[%get3A] {strides = array<i32>} : memref<10112xi32, #tpu.memory_space<vmem>>, vector<16xi32>,
      tpu.vector_store_idx %arg5[%get3A_18], %broadcast_in_dim3A_3 {add = true} : memref<10112xf32, #tpu.memory_space<vmem>>[vector<16xi32>], vector<16xf32>,
      %scan3A_19 = arith.constant 1 : i32
      %scan3A_20 = arith.addi %scan3A_15, %scan3A_19 : i32
      %mul3A_21 = arith.constant 16 : i32
      %mul3A_22 = arith.muli %scan3A_20, %mul3A_21 : i32
      %get3A_23 = arith.index_cast %mul3A_22 : i32 to index
      %get3A_24 = tpu.vector_load %arg4[%get3A_23] {strides = array<i32>} : memref<10112xi32, #tpu.memory_space<vmem>>, vector<16xi32>,
      tpu.vector_store_idx %arg5[%get3A_24], %broadcast_in_dim3A_3 {add = true} : memref<10112xf32, #tpu.memory_space<vmem>>[vector<16xi32>], vector<16xf32>,
      %scan3A_25 = arith.constant 2 : i32
      %scan3A_26 = arith.addi %scan3A_15, %scan3A_25 : i32
      %mul3A_27 = arith.constant 16 : i32
      %mul3A_28 = arith.muli %scan3A_26, %mul3A_27 : i32
      %get3A_29 = arith.index_cast %mul3A_28 : i32 to index
      %get3A_30 = tpu.vector_load %arg4[%get3A_29] {strides = array<i32>} : memref<10112xi32, #tpu.memory_space<vmem>>, vector<16xi32>,
      tpu.vector_store_idx %arg5[%get3A_30], %broadcast_in_dim3A_3 {add = true} : memref<10112xf32, #tpu.memory_space<vmem>>[vector<16xi32>], vector<16xf32>,
      %scan3A_31 = arith.constant 3 : i32
      %scan3A_32 = arith.addi %scan3A_15, %scan3A_31 : i32
      %mul3A_33 = arith.constant 16 : i32
      %mul3A_34 = arith.muli %scan3A_32, %mul3A_33 : i32
      %get3A_35 = arith.index_cast %mul3A_34 : i32 to index
      %get3A_36 = tpu.vector_load %arg4[%get3A_35] {strides = array<i32>} : memref<10112xi32, #tpu.memory_space<vmem>>, vector<16xi32>,
      tpu.vector_store_idx %arg5[%get3A_36], %broadcast_in_dim3A_3 {add = true} : memref<10112xf32, #tpu.memory_space<vmem>>[vector<16xi32>], vector<16xf32>,
      %scan3A_37 = arith.constant 4 : i32
      %scan3A_38 = arith.addi %scan3A_15, %scan3A_37 : i32
      %mul3A_39 = arith.constant 16 : i32
      %mul3A_40 = arith.muli %scan3A_38, %mul3A_39 : i32
      %get3A_41 = arith.index_cast %mul3A_40 : i32 to index
      %get3A_42 = tpu.vector_load %arg4[%get3A_41] {strides = array<i32>} : memref<10112xi32, #tpu.memory_space<vmem>>, vector<16xi32>,
      tpu.vector_store_idx %arg5[%get3A_42], %broadcast_in_dim3A_3 {add = true} : memref<10112xf32, #tpu.memory_space<vmem>>[vector<16xi32>], vector<16xf32>,
      %scan3A_43 = arith.constant 5 : i32
      %scan3A_44 = arith.addi %scan3A_15, %scan3A_43 : i32
      %mul3A_45 = arith.constant 16 : i32
      %mul3A_46 = arith.muli %scan3A_44, %mul3A_45 : i32
      %get3A_47 = arith.index_cast %mul3A_46 : i32 to index
      %get3A_48 = tpu.vector_load %arg4[%get3A_47] {strides = array<i32>} : memref<10112xi32, #tpu.memory_space<vmem>>, vector<16xi32>,
      tpu.vector_store_idx %arg5[%get3A_48], %broadcast_in_dim3A_3 {add = true} : memref<10112xf32, #tpu.memory_space<vmem>>[vector<16xi32>], vector<16xf32>,
      %scan3A_49 = arith.constant 6 : i32
      %scan3A_50 = arith.addi %scan3A_15, %scan3A_49 : i32
      %mul3A_51 = arith.constant 16 : i32
      %mul3A_52 = arith.muli %scan3A_50, %mul3A_51 : i32
      %get3A_53 = arith.index_cast %mul3A_52 : i32 to index
      %get3A_54 = tpu.vector_load %arg4[%get3A_53] {strides = array<i32>} : memref<10112xi32, #tpu.memory_space<vmem>>, vector<16xi32>,
      tpu.vector_store_idx %arg5[%get3A_54], %broadcast_in_dim3A_3 {add = true} : memref<10112xf32, #tpu.memory_space<vmem>>[vector<16xi32>], vector<16xf32>,
      %scan3A_55 = arith.constant 7 : i32
      %scan3A_56 = arith.addi %scan3A_15, %scan3A_55 : i32
      %mul3A_57 = arith.constant 16 : i32
      %mul3A_58 = arith.muli %scan3A_56, %mul3A_57 : i32
      %get3A_59 = arith.index_cast %mul3A_58 : i32 to index
      %get3A_60 = tpu.vector_load %arg4[%get3A_59] {strides = array<i32>} : memref<10112xi32, #tpu.memory_space<vmem>>, vector<16xi32>,
      tpu.vector_store_idx %arg5[%get3A_60], %broadcast_in_dim3A_3 {add = true} : memref<10112xf32, #tpu.memory_space<vmem>>[vector<16xi32>], vector<16xf32>,
    }
    %scan3A_14 = arith.constant 632 : i32
    "tpu.region"() ({
      %run_scoped3A = tpu.sem_alloc : memref<!tpu.dma_semaphore, #tpu.memory_space<semaphore_mem>>
      %dma_start3A = arith.constant 0 : i32
      %dma_start3A_15 = tpu.memref_slice %arg3[%add3A, %dma_start3A] : memref<32x10112xf32, #tpu.memory_space<hbm>> -> memref<1x10112xf32, #tpu.memory_space<hbm>>
      %dma_start3A_16 = tpu.memref_squeeze %dma_start3A_15 : memref<1x10112xf32, #tpu.memory_space<hbm>> -> memref<10112xf32, #tpu.memory_space<hbm>>
      %dma_start3A_17 = arith.constant 0 : i32
      %dma_start3A_18 = tpu.memref_slice %arg3[%add3A, %dma_start3A_17] : memref<32x10112xf32, #tpu.memory_space<hbm>> -> memref<1x10112xf32, #tpu.memory_space<hbm>>
      %dma_start3A_19 = tpu.memref_squeeze %dma_start3A_18 : memref<1x10112xf32, #tpu.memory_space<hbm>> -> memref<10112xf32, #tpu.memory_space<hbm>>
      tpu.enqueue_dma source(%arg5 : memref<10112xf32, #tpu.memory_space<vmem>>) target(%dma_start3A_19 : memref<10112xf32, #tpu.memory_space<hbm>>) target_semaphore(%run_scoped3A : memref<!tpu.dma_semaphore, #tpu.memory_space<semaphore_mem>>)
      %dma_wait3A = arith.constant 0 : i32
      %dma_wait3A_20 = tpu.memref_slice %arg3[%add3A, %dma_wait3A] : memref<32x10112xf32, #tpu.memory_space<hbm>> -> memref<1x10112xf32, #tpu.memory_space<hbm>>
      %dma_wait3A_21 = tpu.memref_squeeze %dma_wait3A_20 : memref<1x10112xf32, #tpu.memory_space<hbm>> -> memref<10112xf32, #tpu.memory_space<hbm>>
      %dma_wait3A_22 = arith.constant 0 : i32
      %dma_wait3A_23 = tpu.memref_slice %arg3[%add3A, %dma_wait3A_22] : memref<32x10112xf32, #tpu.memory_space<hbm>> -> memref<1x10112xf32, #tpu.memory_space<hbm>>
      %dma_wait3A_24 = tpu.memref_squeeze %dma_wait3A_23 : memref<1x10112xf32, #tpu.memory_space<hbm>> -> memref<10112xf32, #tpu.memory_space<hbm>>
      tpu.wait_dma2 semaphore(%run_scoped3A : memref<!tpu.dma_semaphore, #tpu.memory_space<semaphore_mem>>) src(%arg5 : memref<10112xf32, #tpu.memory_space<vmem>>) dst(%dma_wait3A_24 : memref<10112xf32, #tpu.memory_space<hbm>>)
      tpu.yield
    }) : () -> ()
    return
  }
}

#map = affine_map<(d0, d1) -> (0, 0)>
#map1 = affine_map<(d0, d1) -> (0, 0, 0)>
module attributes {stable_mosaic.version = 14 : i64} {
  func.func @_scatter_kernel(%arg0: i32, %arg1: i32, %arg2: memref<10000x32xf32, #tpu.memory_space<hbm>>, %arg3: memref<32x79x128xi32, #tpu.memory_space<hbm>>, %arg4: memref<32x79x128xi32, #tpu.memory_space<hbm>>, %arg5: memref<2x10112x32xf32, #tpu.memory_space<hbm>>, %arg6: memref<79x128xi32, #tpu.memory_space<vmem>>, %arg7: memref<79x128xi32, #tpu.memory_space<vmem>>, %arg8: memref<128x32xf32, #tpu.memory_space<vmem>>, %arg9: memref<128x32xf32, #tpu.memory_space<vmem>>, %arg10: memref<128x32xf32, #tpu.memory_space<vmem>>, %arg11: memref<128x32xf32, #tpu.memory_space<vmem>>, %arg12: memref<128x32xf32, #tpu.memory_space<vmem>>, %arg13: memref<128x32xf32, #tpu.memory_space<vmem>>, %arg14: memref<128x32xf32, #tpu.memory_space<vmem>>, %arg15: memref<128x32xf32, #tpu.memory_space<vmem>>, %arg16: memref<10112x32xf32, #tpu.memory_space<vmem_shared>>, %arg17: memref<!tpu.dma_semaphore, #tpu.memory_space<semaphore_mem>>, %arg18: memref<!tpu.dma_semaphore, #tpu.memory_space<semaphore_mem>>, %arg19: memref<!tpu.dma_semaphore, #tpu.memory_space<semaphore_mem>>, %arg20: memref<!tpu.dma_semaphore, #tpu.memory_space<semaphore_mem>>, %arg21: memref<!tpu.dma_semaphore, #tpu.memory_space<semaphore_mem>>, %arg22: memref<!tpu.dma_semaphore, #tpu.memory_space<semaphore_mem>>, %arg23: memref<!tpu.dma_semaphore, #tpu.memory_space<semaphore_mem>>, %arg24: memref<!tpu.dma_semaphore, #tpu.memory_space<semaphore_mem>>) attributes {dimension_semantics = [#tpu.dimension_semantics<core_parallel>, #tpu.dimension_semantics<subcore_parallel>], iteration_bounds = array<i64: 2, 16>, scalar_prefetch = 0 : i64, scratch_operands = 19 : i64, tpu.core_type = #tpu.core_type<sc_vector_subcore>, window_params = [{transform_indices = #map}, {transform_indices = #map1}, {transform_indices = #map1}, {transform_indices = #map1}]} {
    %mul3A = arith.constant 2 : i32
    %mul3A_0 = arith.muli %arg1, %mul3A : i32
    %add3A = arith.addi %mul3A_0, %arg0 : i32
    "tpu.region"() ({
      %run_scoped3A = tpu.sem_alloc : memref<!tpu.dma_semaphore, #tpu.memory_space<semaphore_mem>>
      %dma_start3A_86 = arith.constant 0 : i32
      %dma_start3A_87 = arith.constant 0 : i32
      %dma_start3A_88 = tpu.memref_slice %arg3[%add3A, %dma_start3A_86, %dma_start3A_87] : memref<32x79x128xi32, #tpu.memory_space<hbm>> -> memref<1x79x128xi32, #tpu.memory_space<hbm>>
      %dma_start3A_89 = tpu.memref_squeeze %dma_start3A_88 : memref<1x79x128xi32, #tpu.memory_space<hbm>> -> memref<79x128xi32, #tpu.memory_space<hbm>>
      %dma_start3A_90 = arith.constant 0 : i32
      %dma_start3A_91 = arith.constant 0 : i32
      %dma_start3A_92 = tpu.memref_slice %arg3[%add3A, %dma_start3A_90, %dma_start3A_91] : memref<32x79x128xi32, #tpu.memory_space<hbm>> -> memref<1x79x128xi32, #tpu.memory_space<hbm>>
      %dma_start3A_93 = tpu.memref_squeeze %dma_start3A_92 : memref<1x79x128xi32, #tpu.memory_space<hbm>> -> memref<79x128xi32, #tpu.memory_space<hbm>>
      tpu.enqueue_dma source(%dma_start3A_93 : memref<79x128xi32, #tpu.memory_space<hbm>>) target(%arg6 : memref<79x128xi32, #tpu.memory_space<vmem>>) target_semaphore(%run_scoped3A : memref<!tpu.dma_semaphore, #tpu.memory_space<semaphore_mem>>)
      %dma_wait3A = arith.constant 0 : i32
      %dma_wait3A_94 = arith.constant 0 : i32
      %dma_wait3A_95 = tpu.memref_slice %arg3[%add3A, %dma_wait3A, %dma_wait3A_94] : memref<32x79x128xi32, #tpu.memory_space<hbm>> -> memref<1x79x128xi32, #tpu.memory_space<hbm>>
      %dma_wait3A_96 = tpu.memref_squeeze %dma_wait3A_95 : memref<1x79x128xi32, #tpu.memory_space<hbm>> -> memref<79x128xi32, #tpu.memory_space<hbm>>
      %dma_wait3A_97 = arith.constant 0 : i32
      %dma_wait3A_98 = arith.constant 0 : i32
      %dma_wait3A_99 = tpu.memref_slice %arg3[%add3A, %dma_wait3A_97, %dma_wait3A_98] : memref<32x79x128xi32, #tpu.memory_space<hbm>> -> memref<1x79x128xi32, #tpu.memory_space<hbm>>
      %dma_wait3A_100 = tpu.memref_squeeze %dma_wait3A_99 : memref<1x79x128xi32, #tpu.memory_space<hbm>> -> memref<79x128xi32, #tpu.memory_space<hbm>>
      tpu.wait_dma2 semaphore(%run_scoped3A : memref<!tpu.dma_semaphore, #tpu.memory_space<semaphore_mem>>) src(%dma_wait3A_100 : memref<79x128xi32, #tpu.memory_space<hbm>>) dst(%arg6 : memref<79x128xi32, #tpu.memory_space<vmem>>)
      tpu.yield
    }) : () -> ()
    "tpu.region"() ({
      %run_scoped3A = tpu.sem_alloc : memref<!tpu.dma_semaphore, #tpu.memory_space<semaphore_mem>>
      %dma_start3A_86 = arith.constant 0 : i32
      %dma_start3A_87 = arith.constant 0 : i32
      %dma_start3A_88 = tpu.memref_slice %arg4[%add3A, %dma_start3A_86, %dma_start3A_87] : memref<32x79x128xi32, #tpu.memory_space<hbm>> -> memref<1x79x128xi32, #tpu.memory_space<hbm>>
      %dma_start3A_89 = tpu.memref_squeeze %dma_start3A_88 : memref<1x79x128xi32, #tpu.memory_space<hbm>> -> memref<79x128xi32, #tpu.memory_space<hbm>>
      %dma_start3A_90 = arith.constant 0 : i32
      %dma_start3A_91 = arith.constant 0 : i32
      %dma_start3A_92 = tpu.memref_slice %arg4[%add3A, %dma_start3A_90, %dma_start3A_91] : memref<32x79x128xi32, #tpu.memory_space<hbm>> -> memref<1x79x128xi32, #tpu.memory_space<hbm>>
      %dma_start3A_93 = tpu.memref_squeeze %dma_start3A_92 : memref<1x79x128xi32, #tpu.memory_space<hbm>> -> memref<79x128xi32, #tpu.memory_space<hbm>>
      tpu.enqueue_dma source(%dma_start3A_93 : memref<79x128xi32, #tpu.memory_space<hbm>>) target(%arg7 : memref<79x128xi32, #tpu.memory_space<vmem>>) target_semaphore(%run_scoped3A : memref<!tpu.dma_semaphore, #tpu.memory_space<semaphore_mem>>)
      %dma_wait3A = arith.constant 0 : i32
      %dma_wait3A_94 = arith.constant 0 : i32
      %dma_wait3A_95 = tpu.memref_slice %arg4[%add3A, %dma_wait3A, %dma_wait3A_94] : memref<32x79x128xi32, #tpu.memory_space<hbm>> -> memref<1x79x128xi32, #tpu.memory_space<hbm>>
      %dma_wait3A_96 = tpu.memref_squeeze %dma_wait3A_95 : memref<1x79x128xi32, #tpu.memory_space<hbm>> -> memref<79x128xi32, #tpu.memory_space<hbm>>
      %dma_wait3A_97 = arith.constant 0 : i32
      %dma_wait3A_98 = arith.constant 0 : i32
      %dma_wait3A_99 = tpu.memref_slice %arg4[%add3A, %dma_wait3A_97, %dma_wait3A_98] : memref<32x79x128xi32, #tpu.memory_space<hbm>> -> memref<1x79x128xi32, #tpu.memory_space<hbm>>
      %dma_wait3A_100 = tpu.memref_squeeze %dma_wait3A_99 : memref<1x79x128xi32, #tpu.memory_space<hbm>> -> memref<79x128xi32, #tpu.memory_space<hbm>>
      tpu.wait_dma2 semaphore(%run_scoped3A : memref<!tpu.dma_semaphore, #tpu.memory_space<semaphore_mem>>) src(%dma_wait3A_100 : memref<79x128xi32, #tpu.memory_space<hbm>>) dst(%arg7 : memref<79x128xi32, #tpu.memory_space<vmem>>)
      tpu.yield
    }) : () -> ()
    %broadcast_in_dim3A = arith.constant 0.000000e+00 : f32
    %broadcast_in_dim3A_1 = vector.broadcast %broadcast_in_dim3A : f32 to vector<16xf32>
    %scan3A = arith.constant 0 : i32
    %scan3A_2 = arith.constant 0 : i32
    %scan3A_3 = arith.constant 256 : i32
    %scan3A_4 = arith.addi %scan3A_2, %scan3A_3 : i32
    %scan3A_5 = arith.constant 8 : i32
    scf.for %scan3A_86 = %scan3A_2 to %scan3A_4 step %scan3A_5  : i32 {
      %jit3A = arith.constant 2 : i32
      %div3A = arith.divsi %scan3A_86, %jit3A : i32
      %sign3A = arith.constant 0 : i32
      %sign3A_87 = arith.cmpi sgt, %scan3A_86, %sign3A : i32
      %sign3A_88 = arith.extui %sign3A_87 : i1 to i32
      %sign3A_89 = arith.constant 0 : i32
      %sign3A_90 = arith.cmpi slt, %scan3A_86, %sign3A_89 : i32
      %sign3A_91 = arith.extui %sign3A_90 : i1 to i32
      %sign3A_92 = arith.subi %sign3A_88, %sign3A_91 : i32
      %sign3A_93 = arith.constant 0 : i32
      %sign3A_94 = arith.cmpi sgt, %jit3A, %sign3A_93 : i32
      %sign3A_95 = arith.extui %sign3A_94 : i1 to i32
      %sign3A_96 = arith.constant 0 : i32
      %sign3A_97 = arith.cmpi slt, %jit3A, %sign3A_96 : i32
      %sign3A_98 = arith.extui %sign3A_97 : i1 to i32
      %sign3A_99 = arith.subi %sign3A_95, %sign3A_98 : i32
      %ne3A = arith.cmpi ne, %sign3A_92, %sign3A_99 : i32
      %rem3A = arith.remsi %scan3A_86, %jit3A : i32
      %ne3A_100 = arith.constant 0 : i32
      %ne3A_101 = arith.cmpi ne, %rem3A, %ne3A_100 : i32
      %and3A = arith.andi %ne3A, %ne3A_101 : i1
      %sub3A = arith.constant 1 : i32
      %sub3A_102 = arith.subi %div3A, %sub3A : i32
      %select_n3A = arith.select %and3A, %sub3A_102, %div3A : i32
      %jit3A_103 = arith.constant 2 : i32
      %eq3A = arith.constant 0 : i32
      %eq3A_104 = arith.cmpi eq, %jit3A_103, %eq3A : i32
      %jit3A_105 = arith.constant 1 : i32
      %select_n3A_106 = arith.select %eq3A_104, %jit3A_105, %jit3A_103 : i32
      %rem3A_107 = arith.remsi %scan3A_86, %select_n3A_106 : i32
      %ne3A_108 = arith.constant 0 : i32
      %ne3A_109 = arith.cmpi ne, %rem3A_107, %ne3A_108 : i32
      %lt3A = arith.constant 0 : i32
      %lt3A_110 = arith.cmpi slt, %rem3A_107, %lt3A : i32
      %lt3A_111 = arith.constant 0 : i32
      %lt3A_112 = arith.cmpi slt, %select_n3A_106, %lt3A_111 : i32
      %ne3A_113 = arith.xori %lt3A_110, %lt3A_112 : i1
      %and3A_114 = arith.andi %ne3A_113, %ne3A_109 : i1
      %add3A_115 = arith.addi %rem3A_107, %select_n3A_106 : i32
      %select_n3A_116 = arith.select %and3A_114, %add3A_115, %rem3A_107 : i32
      %mul3A_117 = arith.constant 16 : i32
      %mul3A_118 = arith.muli %select_n3A_116, %mul3A_117 : i32
      %swap3A = arith.index_cast %select_n3A : i32 to index
      %swap3A_119 = arith.index_cast %mul3A_118 : i32 to index
      %swap3A_120 = tpu.vector_load %arg8[%swap3A, %swap3A_119] {strides = array<i32>} : memref<128x32xf32, #tpu.memory_space<vmem>>, vector<16xf32>,
      tpu.vector_store %arg8[%swap3A, %swap3A_119], %broadcast_in_dim3A_1 {strides = array<i32>} : memref<128x32xf32, #tpu.memory_space<vmem>>, vector<16xf32>,
      %scan3A_121 = arith.constant 1 : i32
      %scan3A_122 = arith.addi %scan3A_86, %scan3A_121 : i32
      %jit3A_123 = arith.constant 2 : i32
      %div3A_124 = arith.divsi %scan3A_122, %jit3A_123 : i32
      %sign3A_125 = arith.constant 0 : i32
      %sign3A_126 = arith.cmpi sgt, %scan3A_122, %sign3A_125 : i32
      %sign3A_127 = arith.extui %sign3A_126 : i1 to i32
      %sign3A_128 = arith.constant 0 : i32
      %sign3A_129 = arith.cmpi slt, %scan3A_122, %sign3A_128 : i32
      %sign3A_130 = arith.extui %sign3A_129 : i1 to i32
      %sign3A_131 = arith.subi %sign3A_127, %sign3A_130 : i32
      %sign3A_132 = arith.constant 0 : i32
      %sign3A_133 = arith.cmpi sgt, %jit3A_123, %sign3A_132 : i32
      %sign3A_134 = arith.extui %sign3A_133 : i1 to i32
      %sign3A_135 = arith.constant 0 : i32
      %sign3A_136 = arith.cmpi slt, %jit3A_123, %sign3A_135 : i32
      %sign3A_137 = arith.extui %sign3A_136 : i1 to i32
      %sign3A_138 = arith.subi %sign3A_134, %sign3A_137 : i32
      %ne3A_139 = arith.cmpi ne, %sign3A_131, %sign3A_138 : i32
      %rem3A_140 = arith.remsi %scan3A_122, %jit3A_123 : i32
      %ne3A_141 = arith.constant 0 : i32
      %ne3A_142 = arith.cmpi ne, %rem3A_140, %ne3A_141 : i32
      %and3A_143 = arith.andi %ne3A_139, %ne3A_142 : i1
      %sub3A_144 = arith.constant 1 : i32
      %sub3A_145 = arith.subi %div3A_124, %sub3A_144 : i32
      %select_n3A_146 = arith.select %and3A_143, %sub3A_145, %div3A_124 : i32
      %jit3A_147 = arith.constant 2 : i32
      %eq3A_148 = arith.constant 0 : i32
      %eq3A_149 = arith.cmpi eq, %jit3A_147, %eq3A_148 : i32
      %jit3A_150 = arith.constant 1 : i32
      %select_n3A_151 = arith.select %eq3A_149, %jit3A_150, %jit3A_147 : i32
      %rem3A_152 = arith.remsi %scan3A_122, %select_n3A_151 : i32
      %ne3A_153 = arith.constant 0 : i32
      %ne3A_154 = arith.cmpi ne, %rem3A_152, %ne3A_153 : i32
      %lt3A_155 = arith.constant 0 : i32
      %lt3A_156 = arith.cmpi slt, %rem3A_152, %lt3A_155 : i32
      %lt3A_157 = arith.constant 0 : i32
      %lt3A_158 = arith.cmpi slt, %select_n3A_151, %lt3A_157 : i32
      %ne3A_159 = arith.xori %lt3A_156, %lt3A_158 : i1
      %and3A_160 = arith.andi %ne3A_159, %ne3A_154 : i1
      %add3A_161 = arith.addi %rem3A_152, %select_n3A_151 : i32
      %select_n3A_162 = arith.select %and3A_160, %add3A_161, %rem3A_152 : i32
      %mul3A_163 = arith.constant 16 : i32
      %mul3A_164 = arith.muli %select_n3A_162, %mul3A_163 : i32
      %swap3A_165 = arith.index_cast %select_n3A_146 : i32 to index
      %swap3A_166 = arith.index_cast %mul3A_164 : i32 to index
      %swap3A_167 = tpu.vector_load %arg8[%swap3A_165, %swap3A_166] {strides = array<i32>} : memref<128x32xf32, #tpu.memory_space<vmem>>, vector<16xf32>,
      tpu.vector_store %arg8[%swap3A_165, %swap3A_166], %broadcast_in_dim3A_1 {strides = array<i32>} : memref<128x32xf32, #tpu.memory_space<vmem>>, vector<16xf32>,
      %scan3A_168 = arith.constant 2 : i32
      %scan3A_169 = arith.addi %scan3A_86, %scan3A_168 : i32
      %jit3A_170 = arith.constant 2 : i32
      %div3A_171 = arith.divsi %scan3A_169, %jit3A_170 : i32
      %sign3A_172 = arith.constant 0 : i32
      %sign3A_173 = arith.cmpi sgt, %scan3A_169, %sign3A_172 : i32
      %sign3A_174 = arith.extui %sign3A_173 : i1 to i32
      %sign3A_175 = arith.constant 0 : i32
      %sign3A_176 = arith.cmpi slt, %scan3A_169, %sign3A_175 : i32
      %sign3A_177 = arith.extui %sign3A_176 : i1 to i32
      %sign3A_178 = arith.subi %sign3A_174, %sign3A_177 : i32
      %sign3A_179 = arith.constant 0 : i32
      %sign3A_180 = arith.cmpi sgt, %jit3A_170, %sign3A_179 : i32
      %sign3A_181 = arith.extui %sign3A_180 : i1 to i32
      %sign3A_182 = arith.constant 0 : i32
      %sign3A_183 = arith.cmpi slt, %jit3A_170, %sign3A_182 : i32
      %sign3A_184 = arith.extui %sign3A_183 : i1 to i32
      %sign3A_185 = arith.subi %sign3A_181, %sign3A_184 : i32
      %ne3A_186 = arith.cmpi ne, %sign3A_178, %sign3A_185 : i32
      %rem3A_187 = arith.remsi %scan3A_169, %jit3A_170 : i32
      %ne3A_188 = arith.constant 0 : i32
      %ne3A_189 = arith.cmpi ne, %rem3A_187, %ne3A_188 : i32
      %and3A_190 = arith.andi %ne3A_186, %ne3A_189 : i1
      %sub3A_191 = arith.constant 1 : i32
      %sub3A_192 = arith.subi %div3A_171, %sub3A_191 : i32
      %select_n3A_193 = arith.select %and3A_190, %sub3A_192, %div3A_171 : i32
      %jit3A_194 = arith.constant 2 : i32
      %eq3A_195 = arith.constant 0 : i32
      %eq3A_196 = arith.cmpi eq, %jit3A_194, %eq3A_195 : i32
      %jit3A_197 = arith.constant 1 : i32
      %select_n3A_198 = arith.select %eq3A_196, %jit3A_197, %jit3A_194 : i32
      %rem3A_199 = arith.remsi %scan3A_169, %select_n3A_198 : i32
      %ne3A_200 = arith.constant 0 : i32
      %ne3A_201 = arith.cmpi ne, %rem3A_199, %ne3A_200 : i32
      %lt3A_202 = arith.constant 0 : i32
      %lt3A_203 = arith.cmpi slt, %rem3A_199, %lt3A_202 : i32
      %lt3A_204 = arith.constant 0 : i32
      %lt3A_205 = arith.cmpi slt, %select_n3A_198, %lt3A_204 : i32
      %ne3A_206 = arith.xori %lt3A_203, %lt3A_205 : i1
      %and3A_207 = arith.andi %ne3A_206, %ne3A_201 : i1
      %add3A_208 = arith.addi %rem3A_199, %select_n3A_198 : i32
      %select_n3A_209 = arith.select %and3A_207, %add3A_208, %rem3A_199 : i32
      %mul3A_210 = arith.constant 16 : i32
      %mul3A_211 = arith.muli %select_n3A_209, %mul3A_210 : i32
      %swap3A_212 = arith.index_cast %select_n3A_193 : i32 to index
      %swap3A_213 = arith.index_cast %mul3A_211 : i32 to index
      %swap3A_214 = tpu.vector_load %arg8[%swap3A_212, %swap3A_213] {strides = array<i32>} : memref<128x32xf32, #tpu.memory_space<vmem>>, vector<16xf32>,
      tpu.vector_store %arg8[%swap3A_212, %swap3A_213], %broadcast_in_dim3A_1 {strides = array<i32>} : memref<128x32xf32, #tpu.memory_space<vmem>>, vector<16xf32>,
      %scan3A_215 = arith.constant 3 : i32
      %scan3A_216 = arith.addi %scan3A_86, %scan3A_215 : i32
      %jit3A_217 = arith.constant 2 : i32
      %div3A_218 = arith.divsi %scan3A_216, %jit3A_217 : i32
      %sign3A_219 = arith.constant 0 : i32
      %sign3A_220 = arith.cmpi sgt, %scan3A_216, %sign3A_219 : i32
      %sign3A_221 = arith.extui %sign3A_220 : i1 to i32
      %sign3A_222 = arith.constant 0 : i32
      %sign3A_223 = arith.cmpi slt, %scan3A_216, %sign3A_222 : i32
      %sign3A_224 = arith.extui %sign3A_223 : i1 to i32
      %sign3A_225 = arith.subi %sign3A_221, %sign3A_224 : i32
      %sign3A_226 = arith.constant 0 : i32
      %sign3A_227 = arith.cmpi sgt, %jit3A_217, %sign3A_226 : i32
      %sign3A_228 = arith.extui %sign3A_227 : i1 to i32
      %sign3A_229 = arith.constant 0 : i32
      %sign3A_230 = arith.cmpi slt, %jit3A_217, %sign3A_229 : i32
      %sign3A_231 = arith.extui %sign3A_230 : i1 to i32
      %sign3A_232 = arith.subi %sign3A_228, %sign3A_231 : i32
      %ne3A_233 = arith.cmpi ne, %sign3A_225, %sign3A_232 : i32
      %rem3A_234 = arith.remsi %scan3A_216, %jit3A_217 : i32
      %ne3A_235 = arith.constant 0 : i32
      %ne3A_236 = arith.cmpi ne, %rem3A_234, %ne3A_235 : i32
      %and3A_237 = arith.andi %ne3A_233, %ne3A_236 : i1
      %sub3A_238 = arith.constant 1 : i32
      %sub3A_239 = arith.subi %div3A_218, %sub3A_238 : i32
      %select_n3A_240 = arith.select %and3A_237, %sub3A_239, %div3A_218 : i32
      %jit3A_241 = arith.constant 2 : i32
      %eq3A_242 = arith.constant 0 : i32
      %eq3A_243 = arith.cmpi eq, %jit3A_241, %eq3A_242 : i32
      %jit3A_244 = arith.constant 1 : i32
      %select_n3A_245 = arith.select %eq3A_243, %jit3A_244, %jit3A_241 : i32
      %rem3A_246 = arith.remsi %scan3A_216, %select_n3A_245 : i32
      %ne3A_247 = arith.constant 0 : i32
      %ne3A_248 = arith.cmpi ne, %rem3A_246, %ne3A_247 : i32
      %lt3A_249 = arith.constant 0 : i32
      %lt3A_250 = arith.cmpi slt, %rem3A_246, %lt3A_249 : i32
      %lt3A_251 = arith.constant 0 : i32
      %lt3A_252 = arith.cmpi slt, %select_n3A_245, %lt3A_251 : i32
      %ne3A_253 = arith.xori %lt3A_250, %lt3A_252 : i1
      %and3A_254 = arith.andi %ne3A_253, %ne3A_248 : i1
      %add3A_255 = arith.addi %rem3A_246, %select_n3A_245 : i32
      %select_n3A_256 = arith.select %and3A_254, %add3A_255, %rem3A_246 : i32
      %mul3A_257 = arith.constant 16 : i32
      %mul3A_258 = arith.muli %select_n3A_256, %mul3A_257 : i32
      %swap3A_259 = arith.index_cast %select_n3A_240 : i32 to index
      %swap3A_260 = arith.index_cast %mul3A_258 : i32 to index
      %swap3A_261 = tpu.vector_load %arg8[%swap3A_259, %swap3A_260] {strides = array<i32>} : memref<128x32xf32, #tpu.memory_space<vmem>>, vector<16xf32>,
      tpu.vector_store %arg8[%swap3A_259, %swap3A_260], %broadcast_in_dim3A_1 {strides = array<i32>} : memref<128x32xf32, #tpu.memory_space<vmem>>, vector<16xf32>,
      %scan3A_262 = arith.constant 4 : i32
      %scan3A_263 = arith.addi %scan3A_86, %scan3A_262 : i32
      %jit3A_264 = arith.constant 2 : i32
      %div3A_265 = arith.divsi %scan3A_263, %jit3A_264 : i32
      %sign3A_266 = arith.constant 0 : i32
      %sign3A_267 = arith.cmpi sgt, %scan3A_263, %sign3A_266 : i32
      %sign3A_268 = arith.extui %sign3A_267 : i1 to i32
      %sign3A_269 = arith.constant 0 : i32
      %sign3A_270 = arith.cmpi slt, %scan3A_263, %sign3A_269 : i32
      %sign3A_271 = arith.extui %sign3A_270 : i1 to i32
      %sign3A_272 = arith.subi %sign3A_268, %sign3A_271 : i32
      %sign3A_273 = arith.constant 0 : i32
      %sign3A_274 = arith.cmpi sgt, %jit3A_264, %sign3A_273 : i32
      %sign3A_275 = arith.extui %sign3A_274 : i1 to i32
      %sign3A_276 = arith.constant 0 : i32
      %sign3A_277 = arith.cmpi slt, %jit3A_264, %sign3A_276 : i32
      %sign3A_278 = arith.extui %sign3A_277 : i1 to i32
      %sign3A_279 = arith.subi %sign3A_275, %sign3A_278 : i32
      %ne3A_280 = arith.cmpi ne, %sign3A_272, %sign3A_279 : i32
      %rem3A_281 = arith.remsi %scan3A_263, %jit3A_264 : i32
      %ne3A_282 = arith.constant 0 : i32
      %ne3A_283 = arith.cmpi ne, %rem3A_281, %ne3A_282 : i32
      %and3A_284 = arith.andi %ne3A_280, %ne3A_283 : i1
      %sub3A_285 = arith.constant 1 : i32
      %sub3A_286 = arith.subi %div3A_265, %sub3A_285 : i32
      %select_n3A_287 = arith.select %and3A_284, %sub3A_286, %div3A_265 : i32
      %jit3A_288 = arith.constant 2 : i32
      %eq3A_289 = arith.constant 0 : i32
      %eq3A_290 = arith.cmpi eq, %jit3A_288, %eq3A_289 : i32
      %jit3A_291 = arith.constant 1 : i32
      %select_n3A_292 = arith.select %eq3A_290, %jit3A_291, %jit3A_288 : i32
      %rem3A_293 = arith.remsi %scan3A_263, %select_n3A_292 : i32
      %ne3A_294 = arith.constant 0 : i32
      %ne3A_295 = arith.cmpi ne, %rem3A_293, %ne3A_294 : i32
      %lt3A_296 = arith.constant 0 : i32
      %lt3A_297 = arith.cmpi slt, %rem3A_293, %lt3A_296 : i32
      %lt3A_298 = arith.constant 0 : i32
      %lt3A_299 = arith.cmpi slt, %select_n3A_292, %lt3A_298 : i32
      %ne3A_300 = arith.xori %lt3A_297, %lt3A_299 : i1
      %and3A_301 = arith.andi %ne3A_300, %ne3A_295 : i1
      %add3A_302 = arith.addi %rem3A_293, %select_n3A_292 : i32
      %select_n3A_303 = arith.select %and3A_301, %add3A_302, %rem3A_293 : i32
      %mul3A_304 = arith.constant 16 : i32
      %mul3A_305 = arith.muli %select_n3A_303, %mul3A_304 : i32
      %swap3A_306 = arith.index_cast %select_n3A_287 : i32 to index
      %swap3A_307 = arith.index_cast %mul3A_305 : i32 to index
      %swap3A_308 = tpu.vector_load %arg8[%swap3A_306, %swap3A_307] {strides = array<i32>} : memref<128x32xf32, #tpu.memory_space<vmem>>, vector<16xf32>,
      tpu.vector_store %arg8[%swap3A_306, %swap3A_307], %broadcast_in_dim3A_1 {strides = array<i32>} : memref<128x32xf32, #tpu.memory_space<vmem>>, vector<16xf32>,
      %scan3A_309 = arith.constant 5 : i32
      %scan3A_310 = arith.addi %scan3A_86, %scan3A_309 : i32
      %jit3A_311 = arith.constant 2 : i32
      %div3A_312 = arith.divsi %scan3A_310, %jit3A_311 : i32
      %sign3A_313 = arith.constant 0 : i32
      %sign3A_314 = arith.cmpi sgt, %scan3A_310, %sign3A_313 : i32
      %sign3A_315 = arith.extui %sign3A_314 : i1 to i32
      %sign3A_316 = arith.constant 0 : i32
      %sign3A_317 = arith.cmpi slt, %scan3A_310, %sign3A_316 : i32
      %sign3A_318 = arith.extui %sign3A_317 : i1 to i32
      %sign3A_319 = arith.subi %sign3A_315, %sign3A_318 : i32
      %sign3A_320 = arith.constant 0 : i32
      %sign3A_321 = arith.cmpi sgt, %jit3A_311, %sign3A_320 : i32
      %sign3A_322 = arith.extui %sign3A_321 : i1 to i32
      %sign3A_323 = arith.constant 0 : i32
      %sign3A_324 = arith.cmpi slt, %jit3A_311, %sign3A_323 : i32
      %sign3A_325 = arith.extui %sign3A_324 : i1 to i32
      %sign3A_326 = arith.subi %sign3A_322, %sign3A_325 : i32
      %ne3A_327 = arith.cmpi ne, %sign3A_319, %sign3A_326 : i32
      %rem3A_328 = arith.remsi %scan3A_310, %jit3A_311 : i32
      %ne3A_329 = arith.constant 0 : i32
      %ne3A_330 = arith.cmpi ne, %rem3A_328, %ne3A_329 : i32
      %and3A_331 = arith.andi %ne3A_327, %ne3A_330 : i1
      %sub3A_332 = arith.constant 1 : i32
      %sub3A_333 = arith.subi %div3A_312, %sub3A_332 : i32
      %select_n3A_334 = arith.select %and3A_331, %sub3A_333, %div3A_312 : i32
      %jit3A_335 = arith.constant 2 : i32
      %eq3A_336 = arith.constant 0 : i32
      %eq3A_337 = arith.cmpi eq, %jit3A_335, %eq3A_336 : i32
      %jit3A_338 = arith.constant 1 : i32
      %select_n3A_339 = arith.select %eq3A_337, %jit3A_338, %jit3A_335 : i32
      %rem3A_340 = arith.remsi %scan3A_310, %select_n3A_339 : i32
      %ne3A_341 = arith.constant 0 : i32
      %ne3A_342 = arith.cmpi ne, %rem3A_340, %ne3A_341 : i32
      %lt3A_343 = arith.constant 0 : i32
      %lt3A_344 = arith.cmpi slt, %rem3A_340, %lt3A_343 : i32
      %lt3A_345 = arith.constant 0 : i32
      %lt3A_346 = arith.cmpi slt, %select_n3A_339, %lt3A_345 : i32
      %ne3A_347 = arith.xori %lt3A_344, %lt3A_346 : i1
      %and3A_348 = arith.andi %ne3A_347, %ne3A_342 : i1
      %add3A_349 = arith.addi %rem3A_340, %select_n3A_339 : i32
      %select_n3A_350 = arith.select %and3A_348, %add3A_349, %rem3A_340 : i32
      %mul3A_351 = arith.constant 16 : i32
      %mul3A_352 = arith.muli %select_n3A_350, %mul3A_351 : i32
      %swap3A_353 = arith.index_cast %select_n3A_334 : i32 to index
      %swap3A_354 = arith.index_cast %mul3A_352 : i32 to index
      %swap3A_355 = tpu.vector_load %arg8[%swap3A_353, %swap3A_354] {strides = array<i32>} : memref<128x32xf32, #tpu.memory_space<vmem>>, vector<16xf32>,
      tpu.vector_store %arg8[%swap3A_353, %swap3A_354], %broadcast_in_dim3A_1 {strides = array<i32>} : memref<128x32xf32, #tpu.memory_space<vmem>>, vector<16xf32>,
      %scan3A_356 = arith.constant 6 : i32
      %scan3A_357 = arith.addi %scan3A_86, %scan3A_356 : i32
      %jit3A_358 = arith.constant 2 : i32
      %div3A_359 = arith.divsi %scan3A_357, %jit3A_358 : i32
      %sign3A_360 = arith.constant 0 : i32
      %sign3A_361 = arith.cmpi sgt, %scan3A_357, %sign3A_360 : i32
      %sign3A_362 = arith.extui %sign3A_361 : i1 to i32
      %sign3A_363 = arith.constant 0 : i32
      %sign3A_364 = arith.cmpi slt, %scan3A_357, %sign3A_363 : i32
      %sign3A_365 = arith.extui %sign3A_364 : i1 to i32
      %sign3A_366 = arith.subi %sign3A_362, %sign3A_365 : i32
      %sign3A_367 = arith.constant 0 : i32
      %sign3A_368 = arith.cmpi sgt, %jit3A_358, %sign3A_367 : i32
      %sign3A_369 = arith.extui %sign3A_368 : i1 to i32
      %sign3A_370 = arith.constant 0 : i32
      %sign3A_371 = arith.cmpi slt, %jit3A_358, %sign3A_370 : i32
      %sign3A_372 = arith.extui %sign3A_371 : i1 to i32
      %sign3A_373 = arith.subi %sign3A_369, %sign3A_372 : i32
      %ne3A_374 = arith.cmpi ne, %sign3A_366, %sign3A_373 : i32
      %rem3A_375 = arith.remsi %scan3A_357, %jit3A_358 : i32
      %ne3A_376 = arith.constant 0 : i32
      %ne3A_377 = arith.cmpi ne, %rem3A_375, %ne3A_376 : i32
      %and3A_378 = arith.andi %ne3A_374, %ne3A_377 : i1
      %sub3A_379 = arith.constant 1 : i32
      %sub3A_380 = arith.subi %div3A_359, %sub3A_379 : i32
      %select_n3A_381 = arith.select %and3A_378, %sub3A_380, %div3A_359 : i32
      %jit3A_382 = arith.constant 2 : i32
      %eq3A_383 = arith.constant 0 : i32
      %eq3A_384 = arith.cmpi eq, %jit3A_382, %eq3A_383 : i32
      %jit3A_385 = arith.constant 1 : i32
      %select_n3A_386 = arith.select %eq3A_384, %jit3A_385, %jit3A_382 : i32
      %rem3A_387 = arith.remsi %scan3A_357, %select_n3A_386 : i32
      %ne3A_388 = arith.constant 0 : i32
      %ne3A_389 = arith.cmpi ne, %rem3A_387, %ne3A_388 : i32
      %lt3A_390 = arith.constant 0 : i32
      %lt3A_391 = arith.cmpi slt, %rem3A_387, %lt3A_390 : i32
      %lt3A_392 = arith.constant 0 : i32
      %lt3A_393 = arith.cmpi slt, %select_n3A_386, %lt3A_392 : i32
      %ne3A_394 = arith.xori %lt3A_391, %lt3A_393 : i1
      %and3A_395 = arith.andi %ne3A_394, %ne3A_389 : i1
      %add3A_396 = arith.addi %rem3A_387, %select_n3A_386 : i32
      %select_n3A_397 = arith.select %and3A_395, %add3A_396, %rem3A_387 : i32
      %mul3A_398 = arith.constant 16 : i32
      %mul3A_399 = arith.muli %select_n3A_397, %mul3A_398 : i32
      %swap3A_400 = arith.index_cast %select_n3A_381 : i32 to index
      %swap3A_401 = arith.index_cast %mul3A_399 : i32 to index
      %swap3A_402 = tpu.vector_load %arg8[%swap3A_400, %swap3A_401] {strides = array<i32>} : memref<128x32xf32, #tpu.memory_space<vmem>>, vector<16xf32>,
      tpu.vector_store %arg8[%swap3A_400, %swap3A_401], %broadcast_in_dim3A_1 {strides = array<i32>} : memref<128x32xf32, #tpu.memory_space<vmem>>, vector<16xf32>,
      %scan3A_403 = arith.constant 7 : i32
      %scan3A_404 = arith.addi %scan3A_86, %scan3A_403 : i32
      %jit3A_405 = arith.constant 2 : i32
      %div3A_406 = arith.divsi %scan3A_404, %jit3A_405 : i32
      %sign3A_407 = arith.constant 0 : i32
      %sign3A_408 = arith.cmpi sgt, %scan3A_404, %sign3A_407 : i32
      %sign3A_409 = arith.extui %sign3A_408 : i1 to i32
      %sign3A_410 = arith.constant 0 : i32
      %sign3A_411 = arith.cmpi slt, %scan3A_404, %sign3A_410 : i32
      %sign3A_412 = arith.extui %sign3A_411 : i1 to i32
      %sign3A_413 = arith.subi %sign3A_409, %sign3A_412 : i32
      %sign3A_414 = arith.constant 0 : i32
      %sign3A_415 = arith.cmpi sgt, %jit3A_405, %sign3A_414 : i32
      %sign3A_416 = arith.extui %sign3A_415 : i1 to i32
      %sign3A_417 = arith.constant 0 : i32
      %sign3A_418 = arith.cmpi slt, %jit3A_405, %sign3A_417 : i32
      %sign3A_419 = arith.extui %sign3A_418 : i1 to i32
      %sign3A_420 = arith.subi %sign3A_416, %sign3A_419 : i32
      %ne3A_421 = arith.cmpi ne, %sign3A_413, %sign3A_420 : i32
      %rem3A_422 = arith.remsi %scan3A_404, %jit3A_405 : i32
      %ne3A_423 = arith.constant 0 : i32
      %ne3A_424 = arith.cmpi ne, %rem3A_422, %ne3A_423 : i32
      %and3A_425 = arith.andi %ne3A_421, %ne3A_424 : i1
      %sub3A_426 = arith.constant 1 : i32
      %sub3A_427 = arith.subi %div3A_406, %sub3A_426 : i32
      %select_n3A_428 = arith.select %and3A_425, %sub3A_427, %div3A_406 : i32
      %jit3A_429 = arith.constant 2 : i32
      %eq3A_430 = arith.constant 0 : i32
      %eq3A_431 = arith.cmpi eq, %jit3A_429, %eq3A_430 : i32
      %jit3A_432 = arith.constant 1 : i32
      %select_n3A_433 = arith.select %eq3A_431, %jit3A_432, %jit3A_429 : i32
      %rem3A_434 = arith.remsi %scan3A_404, %select_n3A_433 : i32
      %ne3A_435 = arith.constant 0 : i32
      %ne3A_436 = arith.cmpi ne, %rem3A_434, %ne3A_435 : i32
      %lt3A_437 = arith.constant 0 : i32
      %lt3A_438 = arith.cmpi slt, %rem3A_434, %lt3A_437 : i32
      %lt3A_439 = arith.constant 0 : i32
      %lt3A_440 = arith.cmpi slt, %select_n3A_433, %lt3A_439 : i32
      %ne3A_441 = arith.xori %lt3A_438, %lt3A_440 : i1
      %and3A_442 = arith.andi %ne3A_441, %ne3A_436 : i1
      %add3A_443 = arith.addi %rem3A_434, %select_n3A_433 : i32
      %select_n3A_444 = arith.select %and3A_442, %add3A_443, %rem3A_434 : i32
      %mul3A_445 = arith.constant 16 : i32
      %mul3A_446 = arith.muli %select_n3A_444, %mul3A_445 : i32
      %swap3A_447 = arith.index_cast %select_n3A_428 : i32 to index
      %swap3A_448 = arith.index_cast %mul3A_446 : i32 to index
      %swap3A_449 = tpu.vector_load %arg8[%swap3A_447, %swap3A_448] {strides = array<i32>} : memref<128x32xf32, #tpu.memory_space<vmem>>, vector<16xf32>,
      tpu.vector_store %arg8[%swap3A_447, %swap3A_448], %broadcast_in_dim3A_1 {strides = array<i32>} : memref<128x32xf32, #tpu.memory_space<vmem>>, vector<16xf32>,
    }
    %scan3A_6 = arith.constant 256 : i32
    %mul3A_7 = arith.constant 632 : i32
    %mul3A_8 = arith.muli %arg1, %mul3A_7 : i32
    %add3A_9 = arith.constant 0 : i32
    %add3A_10 = arith.addi %mul3A_8, %add3A_9 : i32
    "tpu.region"() ({
      %run_scoped3A = tpu.sem_alloc : memref<!tpu.dma_semaphore, #tpu.memory_space<semaphore_mem>>
      %dma_start3A_86 = arith.constant 0 : i32
      %dma_start3A_87 = tpu.memref_slice %arg16[%add3A_10, %dma_start3A_86] : memref<10112x32xf32, #tpu.memory_space<vmem_shared>> -> memref<128x32xf32, #tpu.memory_space<vmem_shared>>
      %dma_start3A_88 = arith.constant 0 : i32
      %dma_start3A_89 = tpu.memref_slice %arg16[%add3A_10, %dma_start3A_88] : memref<10112x32xf32, #tpu.memory_space<vmem_shared>> -> memref<128x32xf32, #tpu.memory_space<vmem_shared>>
      tpu.enqueue_dma source(%arg8 : memref<128x32xf32, #tpu.memory_space<vmem>>) target(%dma_start3A_89 : memref<128x32xf32, #tpu.memory_space<vmem_shared>>) target_semaphore(%run_scoped3A : memref<!tpu.dma_semaphore, #tpu.memory_space<semaphore_mem>>)
      %dma_wait3A = arith.constant 0 : i32
      %dma_wait3A_90 = tpu.memref_slice %arg16[%add3A_10, %dma_wait3A] : memref<10112x32xf32, #tpu.memory_space<vmem_shared>> -> memref<128x32xf32, #tpu.memory_space<vmem_shared>>
      %dma_wait3A_91 = arith.constant 0 : i32
      %dma_wait3A_92 = tpu.memref_slice %arg16[%add3A_10, %dma_wait3A_91] : memref<10112x32xf32, #tpu.memory_space<vmem_shared>> -> memref<128x32xf32, #tpu.memory_space<vmem_shared>>
      tpu.wait_dma2 semaphore(%run_scoped3A : memref<!tpu.dma_semaphore, #tpu.memory_space<semaphore_mem>>) src(%arg8 : memref<128x32xf32, #tpu.memory_space<vmem>>) dst(%dma_wait3A_92 : memref<128x32xf32, #tpu.memory_space<vmem_shared>>)
      tpu.yield
    }) : () -> ()
    %mul3A_11 = arith.constant 632 : i32
    %mul3A_12 = arith.muli %arg1, %mul3A_11 : i32
    %add3A_13 = arith.constant 128 : i32
    %add3A_14 = arith.addi %mul3A_12, %add3A_13 : i32
    "tpu.region"() ({
      %run_scoped3A = tpu.sem_alloc : memref<!tpu.dma_semaphore, #tpu.memory_space<semaphore_mem>>
      %dma_start3A_86 = arith.constant 0 : i32
      %dma_start3A_87 = tpu.memref_slice %arg16[%add3A_14, %dma_start3A_86] : memref<10112x32xf32, #tpu.memory_space<vmem_shared>> -> memref<128x32xf32, #tpu.memory_space<vmem_shared>>
      %dma_start3A_88 = arith.constant 0 : i32
      %dma_start3A_89 = tpu.memref_slice %arg16[%add3A_14, %dma_start3A_88] : memref<10112x32xf32, #tpu.memory_space<vmem_shared>> -> memref<128x32xf32, #tpu.memory_space<vmem_shared>>
      tpu.enqueue_dma source(%arg8 : memref<128x32xf32, #tpu.memory_space<vmem>>) target(%dma_start3A_89 : memref<128x32xf32, #tpu.memory_space<vmem_shared>>) target_semaphore(%run_scoped3A : memref<!tpu.dma_semaphore, #tpu.memory_space<semaphore_mem>>)
      %dma_wait3A = arith.constant 0 : i32
      %dma_wait3A_90 = tpu.memref_slice %arg16[%add3A_14, %dma_wait3A] : memref<10112x32xf32, #tpu.memory_space<vmem_shared>> -> memref<128x32xf32, #tpu.memory_space<vmem_shared>>
      %dma_wait3A_91 = arith.constant 0 : i32
      %dma_wait3A_92 = tpu.memref_slice %arg16[%add3A_14, %dma_wait3A_91] : memref<10112x32xf32, #tpu.memory_space<vmem_shared>> -> memref<128x32xf32, #tpu.memory_space<vmem_shared>>
      tpu.wait_dma2 semaphore(%run_scoped3A : memref<!tpu.dma_semaphore, #tpu.memory_space<semaphore_mem>>) src(%arg8 : memref<128x32xf32, #tpu.memory_space<vmem>>) dst(%dma_wait3A_92 : memref<128x32xf32, #tpu.memory_space<vmem_shared>>)
      tpu.yield
    }) : () -> ()
    %mul3A_15 = arith.constant 632 : i32
    %mul3A_16 = arith.muli %arg1, %mul3A_15 : i32
    %add3A_17 = arith.constant 256 : i32
    %add3A_18 = arith.addi %mul3A_16, %add3A_17 : i32
    "tpu.region"() ({
      %run_scoped3A = tpu.sem_alloc : memref<!tpu.dma_semaphore, #tpu.memory_space<semaphore_mem>>
      %dma_start3A_86 = arith.constant 0 : i32
      %dma_start3A_87 = tpu.memref_slice %arg16[%add3A_18, %dma_start3A_86] : memref<10112x32xf32, #tpu.memory_space<vmem_shared>> -> memref<128x32xf32, #tpu.memory_space<vmem_shared>>
      %dma_start3A_88 = arith.constant 0 : i32
      %dma_start3A_89 = tpu.memref_slice %arg16[%add3A_18, %dma_start3A_88] : memref<10112x32xf32, #tpu.memory_space<vmem_shared>> -> memref<128x32xf32, #tpu.memory_space<vmem_shared>>
      tpu.enqueue_dma source(%arg8 : memref<128x32xf32, #tpu.memory_space<vmem>>) target(%dma_start3A_89 : memref<128x32xf32, #tpu.memory_space<vmem_shared>>) target_semaphore(%run_scoped3A : memref<!tpu.dma_semaphore, #tpu.memory_space<semaphore_mem>>)
      %dma_wait3A = arith.constant 0 : i32
      %dma_wait3A_90 = tpu.memref_slice %arg16[%add3A_18, %dma_wait3A] : memref<10112x32xf32, #tpu.memory_space<vmem_shared>> -> memref<128x32xf32, #tpu.memory_space<vmem_shared>>
      %dma_wait3A_91 = arith.constant 0 : i32
      %dma_wait3A_92 = tpu.memref_slice %arg16[%add3A_18, %dma_wait3A_91] : memref<10112x32xf32, #tpu.memory_space<vmem_shared>> -> memref<128x32xf32, #tpu.memory_space<vmem_shared>>
      tpu.wait_dma2 semaphore(%run_scoped3A : memref<!tpu.dma_semaphore, #tpu.memory_space<semaphore_mem>>) src(%arg8 : memref<128x32xf32, #tpu.memory_space<vmem>>) dst(%dma_wait3A_92 : memref<128x32xf32, #tpu.memory_space<vmem_shared>>)
      tpu.yield
    }) : () -> ()
    %mul3A_19 = arith.constant 632 : i32
    %mul3A_20 = arith.muli %arg1, %mul3A_19 : i32
    %add3A_21 = arith.constant 384 : i32
    %add3A_22 = arith.addi %mul3A_20, %add3A_21 : i32
    "tpu.region"() ({
      %run_scoped3A = tpu.sem_alloc : memref<!tpu.dma_semaphore, #tpu.memory_space<semaphore_mem>>
      %dma_start3A_86 = arith.constant 0 : i32
      %dma_start3A_87 = tpu.memref_slice %arg16[%add3A_22, %dma_start3A_86] : memref<10112x32xf32, #tpu.memory_space<vmem_shared>> -> memref<128x32xf32, #tpu.memory_space<vmem_shared>>
      %dma_start3A_88 = arith.constant 0 : i32
      %dma_start3A_89 = tpu.memref_slice %arg16[%add3A_22, %dma_start3A_88] : memref<10112x32xf32, #tpu.memory_space<vmem_shared>> -> memref<128x32xf32, #tpu.memory_space<vmem_shared>>
      tpu.enqueue_dma source(%arg8 : memref<128x32xf32, #tpu.memory_space<vmem>>) target(%dma_start3A_89 : memref<128x32xf32, #tpu.memory_space<vmem_shared>>) target_semaphore(%run_scoped3A : memref<!tpu.dma_semaphore, #tpu.memory_space<semaphore_mem>>)
      %dma_wait3A = arith.constant 0 : i32
      %dma_wait3A_90 = tpu.memref_slice %arg16[%add3A_22, %dma_wait3A] : memref<10112x32xf32, #tpu.memory_space<vmem_shared>> -> memref<128x32xf32, #tpu.memory_space<vmem_shared>>
      %dma_wait3A_91 = arith.constant 0 : i32
      %dma_wait3A_92 = tpu.memref_slice %arg16[%add3A_22, %dma_wait3A_91] : memref<10112x32xf32, #tpu.memory_space<vmem_shared>> -> memref<128x32xf32, #tpu.memory_space<vmem_shared>>
      tpu.wait_dma2 semaphore(%run_scoped3A : memref<!tpu.dma_semaphore, #tpu.memory_space<semaphore_mem>>) src(%arg8 : memref<128x32xf32, #tpu.memory_space<vmem>>) dst(%dma_wait3A_92 : memref<128x32xf32, #tpu.memory_space<vmem_shared>>)
      tpu.yield
    }) : () -> ()
    %mul3A_23 = arith.constant 632 : i32
    %mul3A_24 = arith.muli %arg1, %mul3A_23 : i32
    %add3A_25 = arith.constant 512 : i32
    %add3A_26 = arith.addi %mul3A_24, %add3A_25 : i32
    "tpu.region"() ({
      %run_scoped3A = tpu.sem_alloc : memref<!tpu.dma_semaphore, #tpu.memory_space<semaphore_mem>>
      %dma_start3A_86 = arith.constant 0 : i32
      %dma_start3A_87 = arith.constant 0 : i32
      %dma_start3A_88 = tpu.memref_slice %arg8[%dma_start3A_86, %dma_start3A_87] : memref<128x32xf32, #tpu.memory_space<vmem>> -> memref<120x32xf32, #tpu.memory_space<vmem>>
      %dma_start3A_89 = arith.constant 0 : i32
      %dma_start3A_90 = tpu.memref_slice %arg16[%add3A_26, %dma_start3A_89] : memref<10112x32xf32, #tpu.memory_space<vmem_shared>> -> memref<120x32xf32, #tpu.memory_space<vmem_shared>>
      %dma_start3A_91 = arith.constant 0 : i32
      %dma_start3A_92 = tpu.memref_slice %arg16[%add3A_26, %dma_start3A_91] : memref<10112x32xf32, #tpu.memory_space<vmem_shared>> -> memref<120x32xf32, #tpu.memory_space<vmem_shared>>
      %dma_start3A_93 = arith.constant 0 : i32
      %dma_start3A_94 = arith.constant 0 : i32
      %dma_start3A_95 = tpu.memref_slice %arg8[%dma_start3A_93, %dma_start3A_94] : memref<128x32xf32, #tpu.memory_space<vmem>> -> memref<120x32xf32, #tpu.memory_space<vmem>>
      tpu.enqueue_dma source(%dma_start3A_95 : memref<120x32xf32, #tpu.memory_space<vmem>>) target(%dma_start3A_92 : memref<120x32xf32, #tpu.memory_space<vmem_shared>>) target_semaphore(%run_scoped3A : memref<!tpu.dma_semaphore, #tpu.memory_space<semaphore_mem>>)
      %dma_wait3A = arith.constant 0 : i32
      %dma_wait3A_96 = arith.constant 0 : i32
      %dma_wait3A_97 = tpu.memref_slice %arg8[%dma_wait3A, %dma_wait3A_96] : memref<128x32xf32, #tpu.memory_space<vmem>> -> memref<120x32xf32, #tpu.memory_space<vmem>>
      %dma_wait3A_98 = arith.constant 0 : i32
      %dma_wait3A_99 = tpu.memref_slice %arg16[%add3A_26, %dma_wait3A_98] : memref<10112x32xf32, #tpu.memory_space<vmem_shared>> -> memref<120x32xf32, #tpu.memory_space<vmem_shared>>
      %dma_wait3A_100 = arith.constant 0 : i32
      %dma_wait3A_101 = tpu.memref_slice %arg16[%add3A_26, %dma_wait3A_100] : memref<10112x32xf32, #tpu.memory_space<vmem_shared>> -> memref<120x32xf32, #tpu.memory_space<vmem_shared>>
      %dma_wait3A_102 = arith.constant 0 : i32
      %dma_wait3A_103 = arith.constant 0 : i32
      %dma_wait3A_104 = tpu.memref_slice %arg8[%dma_wait3A_102, %dma_wait3A_103] : memref<128x32xf32, #tpu.memory_space<vmem>> -> memref<120x32xf32, #tpu.memory_space<vmem>>
      tpu.wait_dma2 semaphore(%run_scoped3A : memref<!tpu.dma_semaphore, #tpu.memory_space<semaphore_mem>>) src(%dma_wait3A_104 : memref<120x32xf32, #tpu.memory_space<vmem>>) dst(%dma_wait3A_101 : memref<120x32xf32, #tpu.memory_space<vmem_shared>>)
      tpu.yield
    }) : () -> ()
    %barrier3A = arith.constant 0 : index
    tpu.barrier barrier_id(%barrier3A)
    %dma_start3A = arith.constant 0 : i32
    %dma_start3A_27 = arith.constant 0 : i32
    %dma_start3A_28 = tpu.memref_slice %arg6[%dma_start3A, %dma_start3A_27] : memref<79x128xi32, #tpu.memory_space<vmem>> -> memref<1x128xi32, #tpu.memory_space<vmem>>
    %dma_start3A_29 = tpu.memref_squeeze %dma_start3A_28 : memref<1x128xi32, #tpu.memory_space<vmem>> -> memref<128xi32, #tpu.memory_space<vmem>>
    %dma_start3A_30 = arith.constant 0 : i32
    %dma_start3A_31 = arith.constant 0 : i32
    %dma_start3A_32 = tpu.memref_slice %arg2[%dma_start3A_30, %dma_start3A_31] : memref<10000x32xf32, #tpu.memory_space<hbm>> -> memref<10000x32xf32, #tpu.memory_space<hbm>>
    tpu.enqueue_indirect_dma source(%dma_start3A_32 : memref<10000x32xf32, #tpu.memory_space<hbm>>) target(%arg8 : memref<128x32xf32, #tpu.memory_space<vmem>>) offsets(%dma_start3A_29 : memref<128xi32, #tpu.memory_space<vmem>>) semaphore(%arg17 : memref<!tpu.dma_semaphore, #tpu.memory_space<semaphore_mem>>)
    %dma_start3A_33 = arith.constant 1 : i32
    %dma_start3A_34 = arith.constant 0 : i32
    %dma_start3A_35 = tpu.memref_slice %arg6[%dma_start3A_33, %dma_start3A_34] : memref<79x128xi32, #tpu.memory_space<vmem>> -> memref<1x128xi32, #tpu.memory_space<vmem>>
    %dma_start3A_36 = tpu.memref_squeeze %dma_start3A_35 : memref<1x128xi32, #tpu.memory_space<vmem>> -> memref<128xi32, #tpu.memory_space<vmem>>
    %dma_start3A_37 = arith.constant 0 : i32
    %dma_start3A_38 = arith.constant 0 : i32
    %dma_start3A_39 = tpu.memref_slice %arg2[%dma_start3A_37, %dma_start3A_38] : memref<10000x32xf32, #tpu.memory_space<hbm>> -> memref<10000x32xf32, #tpu.memory_space<hbm>>
    tpu.enqueue_indirect_dma source(%dma_start3A_39 : memref<10000x32xf32, #tpu.memory_space<hbm>>) target(%arg9 : memref<128x32xf32, #tpu.memory_space<vmem>>) offsets(%dma_start3A_36 : memref<128xi32, #tpu.memory_space<vmem>>) semaphore(%arg18 : memref<!tpu.dma_semaphore, #tpu.memory_space<semaphore_mem>>)
    %dma_start3A_40 = arith.constant 2 : i32
    %dma_start3A_41 = arith.constant 0 : i32
    %dma_start3A_42 = tpu.memref_slice %arg6[%dma_start3A_40, %dma_start3A_41] : memref<79x128xi32, #tpu.memory_space<vmem>> -> memref<1x128xi32, #tpu.memory_space<vmem>>
    %dma_start3A_43 = tpu.memref_squeeze %dma_start3A_42 : memref<1x128xi32, #tpu.memory_space<vmem>> -> memref<128xi32, #tpu.memory_space<vmem>>
    %dma_start3A_44 = arith.constant 0 : i32
    %dma_start3A_45 = arith.constant 0 : i32
    %dma_start3A_46 = tpu.memref_slice %arg2[%dma_start3A_44, %dma_start3A_45] : memref<10000x32xf32, #tpu.memory_space<hbm>> -> memref<10000x32xf32, #tpu.memory_space<hbm>>
    tpu.enqueue_indirect_dma source(%dma_start3A_46 : memref<10000x32xf32, #tpu.memory_space<hbm>>) target(%arg10 : memref<128x32xf32, #tpu.memory_space<vmem>>) offsets(%dma_start3A_43 : memref<128xi32, #tpu.memory_space<vmem>>) semaphore(%arg19 : memref<!tpu.dma_semaphore, #tpu.memory_space<semaphore_mem>>)
    %dma_start3A_47 = arith.constant 3 : i32
    %dma_start3A_48 = arith.constant 0 : i32
    %dma_start3A_49 = tpu.memref_slice %arg6[%dma_start3A_47, %dma_start3A_48] : memref<79x128xi32, #tpu.memory_space<vmem>> -> memref<1x128xi32, #tpu.memory_space<vmem>>
    %dma_start3A_50 = tpu.memref_squeeze %dma_start3A_49 : memref<1x128xi32, #tpu.memory_space<vmem>> -> memref<128xi32, #tpu.memory_space<vmem>>
    %dma_start3A_51 = arith.constant 0 : i32
    %dma_start3A_52 = arith.constant 0 : i32
    %dma_start3A_53 = tpu.memref_slice %arg2[%dma_start3A_51, %dma_start3A_52] : memref<10000x32xf32, #tpu.memory_space<hbm>> -> memref<10000x32xf32, #tpu.memory_space<hbm>>
    tpu.enqueue_indirect_dma source(%dma_start3A_53 : memref<10000x32xf32, #tpu.memory_space<hbm>>) target(%arg11 : memref<128x32xf32, #tpu.memory_space<vmem>>) offsets(%dma_start3A_50 : memref<128xi32, #tpu.memory_space<vmem>>) semaphore(%arg20 : memref<!tpu.dma_semaphore, #tpu.memory_space<semaphore_mem>>)
    %dma_start3A_54 = arith.constant 4 : i32
    %dma_start3A_55 = arith.constant 0 : i32
    %dma_start3A_56 = tpu.memref_slice %arg6[%dma_start3A_54, %dma_start3A_55] : memref<79x128xi32, #tpu.memory_space<vmem>> -> memref<1x128xi32, #tpu.memory_space<vmem>>
    %dma_start3A_57 = tpu.memref_squeeze %dma_start3A_56 : memref<1x128xi32, #tpu.memory_space<vmem>> -> memref<128xi32, #tpu.memory_space<vmem>>
    %dma_start3A_58 = arith.constant 0 : i32
    %dma_start3A_59 = arith.constant 0 : i32
    %dma_start3A_60 = tpu.memref_slice %arg2[%dma_start3A_58, %dma_start3A_59] : memref<10000x32xf32, #tpu.memory_space<hbm>> -> memref<10000x32xf32, #tpu.memory_space<hbm>>
    tpu.enqueue_indirect_dma source(%dma_start3A_60 : memref<10000x32xf32, #tpu.memory_space<hbm>>) target(%arg12 : memref<128x32xf32, #tpu.memory_space<vmem>>) offsets(%dma_start3A_57 : memref<128xi32, #tpu.memory_space<vmem>>) semaphore(%arg21 : memref<!tpu.dma_semaphore, #tpu.memory_space<semaphore_mem>>)
    %dma_start3A_61 = arith.constant 5 : i32
    %dma_start3A_62 = arith.constant 0 : i32
    %dma_start3A_63 = tpu.memref_slice %arg6[%dma_start3A_61, %dma_start3A_62] : memref<79x128xi32, #tpu.memory_space<vmem>> -> memref<1x128xi32, #tpu.memory_space<vmem>>
    %dma_start3A_64 = tpu.memref_squeeze %dma_start3A_63 : memref<1x128xi32, #tpu.memory_space<vmem>> -> memref<128xi32, #tpu.memory_space<vmem>>
    %dma_start3A_65 = arith.constant 0 : i32
    %dma_start3A_66 = arith.constant 0 : i32
    %dma_start3A_67 = tpu.memref_slice %arg2[%dma_start3A_65, %dma_start3A_66] : memref<10000x32xf32, #tpu.memory_space<hbm>> -> memref<10000x32xf32, #tpu.memory_space<hbm>>
    tpu.enqueue_indirect_dma source(%dma_start3A_67 : memref<10000x32xf32, #tpu.memory_space<hbm>>) target(%arg13 : memref<128x32xf32, #tpu.memory_space<vmem>>) offsets(%dma_start3A_64 : memref<128xi32, #tpu.memory_space<vmem>>) semaphore(%arg22 : memref<!tpu.dma_semaphore, #tpu.memory_space<semaphore_mem>>)
    %dma_start3A_68 = arith.constant 6 : i32
    %dma_start3A_69 = arith.constant 0 : i32
    %dma_start3A_70 = tpu.memref_slice %arg6[%dma_start3A_68, %dma_start3A_69] : memref<79x128xi32, #tpu.memory_space<vmem>> -> memref<1x128xi32, #tpu.memory_space<vmem>>
    %dma_start3A_71 = tpu.memref_squeeze %dma_start3A_70 : memref<1x128xi32, #tpu.memory_space<vmem>> -> memref<128xi32, #tpu.memory_space<vmem>>
    %dma_start3A_72 = arith.constant 0 : i32
    %dma_start3A_73 = arith.constant 0 : i32
    %dma_start3A_74 = tpu.memref_slice %arg2[%dma_start3A_72, %dma_start3A_73] : memref<10000x32xf32, #tpu.memory_space<hbm>> -> memref<10000x32xf32, #tpu.memory_space<hbm>>
    tpu.enqueue_indirect_dma source(%dma_start3A_74 : memref<10000x32xf32, #tpu.memory_space<hbm>>) target(%arg14 : memref<128x32xf32, #tpu.memory_space<vmem>>) offsets(%dma_start3A_71 : memref<128xi32, #tpu.memory_space<vmem>>) semaphore(%arg23 : memref<!tpu.dma_semaphore, #tpu.memory_space<semaphore_mem>>)
    %scan3A_75 = arith.constant 0 : i32
    %scan3A_76 = arith.constant 0 : i32
    %scan3A_77 = arith.constant 79 : i32
    %scan3A_78 = arith.addi %scan3A_76, %scan3A_77 : i32
    %scan3A_79 = arith.constant 1 : i32
    scf.for %scan3A_86 = %scan3A_76 to %scan3A_78 step %scan3A_79  : i32 {
      %jit3A = arith.constant 8 : i32
      %eq3A = arith.constant 0 : i32
      %eq3A_87 = arith.cmpi eq, %jit3A, %eq3A : i32
      %jit3A_88 = arith.constant 1 : i32
      %select_n3A = arith.select %eq3A_87, %jit3A_88, %jit3A : i32
      %rem3A = arith.remsi %scan3A_86, %select_n3A : i32
      %ne3A = arith.constant 0 : i32
      %ne3A_89 = arith.cmpi ne, %rem3A, %ne3A : i32
      %lt3A = arith.constant 0 : i32
      %lt3A_90 = arith.cmpi slt, %rem3A, %lt3A : i32
      %lt3A_91 = arith.constant 0 : i32
      %lt3A_92 = arith.cmpi slt, %select_n3A, %lt3A_91 : i32
      %ne3A_93 = arith.xori %lt3A_90, %lt3A_92 : i1
      %and3A = arith.andi %ne3A_93, %ne3A_89 : i1
      %add3A_94 = arith.addi %rem3A, %select_n3A : i32
      %select_n3A_95 = arith.select %and3A, %add3A_94, %rem3A : i32
      %add3A_96 = arith.constant 8 : i32
      %add3A_97 = arith.addi %scan3A_86, %add3A_96 : i32
      %sub3A = arith.constant 1 : i32
      %sub3A_98 = arith.subi %add3A_97, %sub3A : i32
      %lt3A_99 = arith.constant 79 : i32
      %lt3A_100 = arith.cmpi slt, %sub3A_98, %lt3A_99 : i32
      %eq3A_101 = arith.constant 0 : i32
      %eq3A_102 = arith.cmpi eq, %select_n3A_95, %eq3A_101 : i32
      %and3A_103 = arith.andi %lt3A_100, %eq3A_102 : i1
      %convert_element_type3A = arith.extui %and3A_103 : i1 to i32
      %cond3A = arith.constant 0 : i32
      %cond3A_104 = arith.cmpi ne, %convert_element_type3A, %cond3A : i32
      scf.if %cond3A_104 {
        %dma_start3A_201 = arith.constant 0 : i32
        %dma_start3A_202 = tpu.memref_slice %arg6[%sub3A_98, %dma_start3A_201] : memref<79x128xi32, #tpu.memory_space<vmem>> -> memref<1x128xi32, #tpu.memory_space<vmem>>
        %dma_start3A_203 = tpu.memref_squeeze %dma_start3A_202 : memref<1x128xi32, #tpu.memory_space<vmem>> -> memref<128xi32, #tpu.memory_space<vmem>>
        %dma_start3A_204 = arith.constant 0 : i32
        %dma_start3A_205 = arith.constant 0 : i32
        %dma_start3A_206 = tpu.memref_slice %arg2[%dma_start3A_204, %dma_start3A_205] : memref<10000x32xf32, #tpu.memory_space<hbm>> -> memref<10000x32xf32, #tpu.memory_space<hbm>>
        tpu.enqueue_indirect_dma source(%dma_start3A_206 : memref<10000x32xf32, #tpu.memory_space<hbm>>) target(%arg15 : memref<128x32xf32, #tpu.memory_space<vmem>>) offsets(%dma_start3A_203 : memref<128xi32, #tpu.memory_space<vmem>>) semaphore(%arg24 : memref<!tpu.dma_semaphore, #tpu.memory_space<semaphore_mem>>)
      } else {
      }
      %lt3A_105 = arith.constant 79 : i32
      %lt3A_106 = arith.cmpi slt, %sub3A_98, %lt3A_105 : i32
      %eq3A_107 = arith.constant 1 : i32
      %eq3A_108 = arith.cmpi eq, %select_n3A_95, %eq3A_107 : i32
      %and3A_109 = arith.andi %lt3A_106, %eq3A_108 : i1
      %convert_element_type3A_110 = arith.extui %and3A_109 : i1 to i32
      %cond3A_111 = arith.constant 0 : i32
      %cond3A_112 = arith.cmpi ne, %convert_element_type3A_110, %cond3A_111 : i32
      scf.if %cond3A_112 {
        %dma_start3A_201 = arith.constant 0 : i32
        %dma_start3A_202 = tpu.memref_slice %arg6[%sub3A_98, %dma_start3A_201] : memref<79x128xi32, #tpu.memory_space<vmem>> -> memref<1x128xi32, #tpu.memory_space<vmem>>
        %dma_start3A_203 = tpu.memref_squeeze %dma_start3A_202 : memref<1x128xi32, #tpu.memory_space<vmem>> -> memref<128xi32, #tpu.memory_space<vmem>>
        %dma_start3A_204 = arith.constant 0 : i32
        %dma_start3A_205 = arith.constant 0 : i32
        %dma_start3A_206 = tpu.memref_slice %arg2[%dma_start3A_204, %dma_start3A_205] : memref<10000x32xf32, #tpu.memory_space<hbm>> -> memref<10000x32xf32, #tpu.memory_space<hbm>>
        tpu.enqueue_indirect_dma source(%dma_start3A_206 : memref<10000x32xf32, #tpu.memory_space<hbm>>) target(%arg8 : memref<128x32xf32, #tpu.memory_space<vmem>>) offsets(%dma_start3A_203 : memref<128xi32, #tpu.memory_space<vmem>>) semaphore(%arg17 : memref<!tpu.dma_semaphore, #tpu.memory_space<semaphore_mem>>)
      } else {
      }
      %lt3A_113 = arith.constant 79 : i32
      %lt3A_114 = arith.cmpi slt, %sub3A_98, %lt3A_113 : i32
      %eq3A_115 = arith.constant 2 : i32
      %eq3A_116 = arith.cmpi eq, %select_n3A_95, %eq3A_115 : i32
      %and3A_117 = arith.andi %lt3A_114, %eq3A_116 : i1
      %convert_element_type3A_118 = arith.extui %and3A_117 : i1 to i32
      %cond3A_119 = arith.constant 0 : i32
      %cond3A_120 = arith.cmpi ne, %convert_element_type3A_118, %cond3A_119 : i32
      scf.if %cond3A_120 {
        %dma_start3A_201 = arith.constant 0 : i32
        %dma_start3A_202 = tpu.memref_slice %arg6[%sub3A_98, %dma_start3A_201] : memref<79x128xi32, #tpu.memory_space<vmem>> -> memref<1x128xi32, #tpu.memory_space<vmem>>
        %dma_start3A_203 = tpu.memref_squeeze %dma_start3A_202 : memref<1x128xi32, #tpu.memory_space<vmem>> -> memref<128xi32, #tpu.memory_space<vmem>>
        %dma_start3A_204 = arith.constant 0 : i32
        %dma_start3A_205 = arith.constant 0 : i32
        %dma_start3A_206 = tpu.memref_slice %arg2[%dma_start3A_204, %dma_start3A_205] : memref<10000x32xf32, #tpu.memory_space<hbm>> -> memref<10000x32xf32, #tpu.memory_space<hbm>>
        tpu.enqueue_indirect_dma source(%dma_start3A_206 : memref<10000x32xf32, #tpu.memory_space<hbm>>) target(%arg9 : memref<128x32xf32, #tpu.memory_space<vmem>>) offsets(%dma_start3A_203 : memref<128xi32, #tpu.memory_space<vmem>>) semaphore(%arg18 : memref<!tpu.dma_semaphore, #tpu.memory_space<semaphore_mem>>)
      } else {
      }
      %lt3A_121 = arith.constant 79 : i32
      %lt3A_122 = arith.cmpi slt, %sub3A_98, %lt3A_121 : i32
      %eq3A_123 = arith.constant 3 : i32
      %eq3A_124 = arith.cmpi eq, %select_n3A_95, %eq3A_123 : i32
      %and3A_125 = arith.andi %lt3A_122, %eq3A_124 : i1
      %convert_element_type3A_126 = arith.extui %and3A_125 : i1 to i32
      %cond3A_127 = arith.constant 0 : i32
      %cond3A_128 = arith.cmpi ne, %convert_element_type3A_126, %cond3A_127 : i32
      scf.if %cond3A_128 {
        %dma_start3A_201 = arith.constant 0 : i32
        %dma_start3A_202 = tpu.memref_slice %arg6[%sub3A_98, %dma_start3A_201] : memref<79x128xi32, #tpu.memory_space<vmem>> -> memref<1x128xi32, #tpu.memory_space<vmem>>
        %dma_start3A_203 = tpu.memref_squeeze %dma_start3A_202 : memref<1x128xi32, #tpu.memory_space<vmem>> -> memref<128xi32, #tpu.memory_space<vmem>>
        %dma_start3A_204 = arith.constant 0 : i32
        %dma_start3A_205 = arith.constant 0 : i32
        %dma_start3A_206 = tpu.memref_slice %arg2[%dma_start3A_204, %dma_start3A_205] : memref<10000x32xf32, #tpu.memory_space<hbm>> -> memref<10000x32xf32, #tpu.memory_space<hbm>>
        tpu.enqueue_indirect_dma source(%dma_start3A_206 : memref<10000x32xf32, #tpu.memory_space<hbm>>) target(%arg10 : memref<128x32xf32, #tpu.memory_space<vmem>>) offsets(%dma_start3A_203 : memref<128xi32, #tpu.memory_space<vmem>>) semaphore(%arg19 : memref<!tpu.dma_semaphore, #tpu.memory_space<semaphore_mem>>)
      } else {
      }
      %lt3A_129 = arith.constant 79 : i32
      %lt3A_130 = arith.cmpi slt, %sub3A_98, %lt3A_129 : i32
      %eq3A_131 = arith.constant 4 : i32
      %eq3A_132 = arith.cmpi eq, %select_n3A_95, %eq3A_131 : i32
      %and3A_133 = arith.andi %lt3A_130, %eq3A_132 : i1
      %convert_element_type3A_134 = arith.extui %and3A_133 : i1 to i32
      %cond3A_135 = arith.constant 0 : i32
      %cond3A_136 = arith.cmpi ne, %convert_element_type3A_134, %cond3A_135 : i32
      scf.if %cond3A_136 {
        %dma_start3A_201 = arith.constant 0 : i32
        %dma_start3A_202 = tpu.memref_slice %arg6[%sub3A_98, %dma_start3A_201] : memref<79x128xi32, #tpu.memory_space<vmem>> -> memref<1x128xi32, #tpu.memory_space<vmem>>
        %dma_start3A_203 = tpu.memref_squeeze %dma_start3A_202 : memref<1x128xi32, #tpu.memory_space<vmem>> -> memref<128xi32, #tpu.memory_space<vmem>>
        %dma_start3A_204 = arith.constant 0 : i32
        %dma_start3A_205 = arith.constant 0 : i32
        %dma_start3A_206 = tpu.memref_slice %arg2[%dma_start3A_204, %dma_start3A_205] : memref<10000x32xf32, #tpu.memory_space<hbm>> -> memref<10000x32xf32, #tpu.memory_space<hbm>>
        tpu.enqueue_indirect_dma source(%dma_start3A_206 : memref<10000x32xf32, #tpu.memory_space<hbm>>) target(%arg11 : memref<128x32xf32, #tpu.memory_space<vmem>>) offsets(%dma_start3A_203 : memref<128xi32, #tpu.memory_space<vmem>>) semaphore(%arg20 : memref<!tpu.dma_semaphore, #tpu.memory_space<semaphore_mem>>)
      } else {
      }
      %lt3A_137 = arith.constant 79 : i32
      %lt3A_138 = arith.cmpi slt, %sub3A_98, %lt3A_137 : i32
      %eq3A_139 = arith.constant 5 : i32
      %eq3A_140 = arith.cmpi eq, %select_n3A_95, %eq3A_139 : i32
      %and3A_141 = arith.andi %lt3A_138, %eq3A_140 : i1
      %convert_element_type3A_142 = arith.extui %and3A_141 : i1 to i32
      %cond3A_143 = arith.constant 0 : i32
      %cond3A_144 = arith.cmpi ne, %convert_element_type3A_142, %cond3A_143 : i32
      scf.if %cond3A_144 {
        %dma_start3A_201 = arith.constant 0 : i32
        %dma_start3A_202 = tpu.memref_slice %arg6[%sub3A_98, %dma_start3A_201] : memref<79x128xi32, #tpu.memory_space<vmem>> -> memref<1x128xi32, #tpu.memory_space<vmem>>
        %dma_start3A_203 = tpu.memref_squeeze %dma_start3A_202 : memref<1x128xi32, #tpu.memory_space<vmem>> -> memref<128xi32, #tpu.memory_space<vmem>>
        %dma_start3A_204 = arith.constant 0 : i32
        %dma_start3A_205 = arith.constant 0 : i32
        %dma_start3A_206 = tpu.memref_slice %arg2[%dma_start3A_204, %dma_start3A_205] : memref<10000x32xf32, #tpu.memory_space<hbm>> -> memref<10000x32xf32, #tpu.memory_space<hbm>>
        tpu.enqueue_indirect_dma source(%dma_start3A_206 : memref<10000x32xf32, #tpu.memory_space<hbm>>) target(%arg12 : memref<128x32xf32, #tpu.memory_space<vmem>>) offsets(%dma_start3A_203 : memref<128xi32, #tpu.memory_space<vmem>>) semaphore(%arg21 : memref<!tpu.dma_semaphore, #tpu.memory_space<semaphore_mem>>)
      } else {
      }
      %lt3A_145 = arith.constant 79 : i32
      %lt3A_146 = arith.cmpi slt, %sub3A_98, %lt3A_145 : i32
      %eq3A_147 = arith.constant 6 : i32
      %eq3A_148 = arith.cmpi eq, %select_n3A_95, %eq3A_147 : i32
      %and3A_149 = arith.andi %lt3A_146, %eq3A_148 : i1
      %convert_element_type3A_150 = arith.extui %and3A_149 : i1 to i32
      %cond3A_151 = arith.constant 0 : i32
      %cond3A_152 = arith.cmpi ne, %convert_element_type3A_150, %cond3A_151 : i32
      scf.if %cond3A_152 {
        %dma_start3A_201 = arith.constant 0 : i32
        %dma_start3A_202 = tpu.memref_slice %arg6[%sub3A_98, %dma_start3A_201] : memref<79x128xi32, #tpu.memory_space<vmem>> -> memref<1x128xi32, #tpu.memory_space<vmem>>
        %dma_start3A_203 = tpu.memref_squeeze %dma_start3A_202 : memref<1x128xi32, #tpu.memory_space<vmem>> -> memref<128xi32, #tpu.memory_space<vmem>>
        %dma_start3A_204 = arith.constant 0 : i32
        %dma_start3A_205 = arith.constant 0 : i32
        %dma_start3A_206 = tpu.memref_slice %arg2[%dma_start3A_204, %dma_start3A_205] : memref<10000x32xf32, #tpu.memory_space<hbm>> -> memref<10000x32xf32, #tpu.memory_space<hbm>>
        tpu.enqueue_indirect_dma source(%dma_start3A_206 : memref<10000x32xf32, #tpu.memory_space<hbm>>) target(%arg13 : memref<128x32xf32, #tpu.memory_space<vmem>>) offsets(%dma_start3A_203 : memref<128xi32, #tpu.memory_space<vmem>>) semaphore(%arg22 : memref<!tpu.dma_semaphore, #tpu.memory_space<semaphore_mem>>)
      } else {
      }
      %lt3A_153 = arith.constant 79 : i32
      %lt3A_154 = arith.cmpi slt, %sub3A_98, %lt3A_153 : i32
      %eq3A_155 = arith.constant 7 : i32
      %eq3A_156 = arith.cmpi eq, %select_n3A_95, %eq3A_155 : i32
      %and3A_157 = arith.andi %lt3A_154, %eq3A_156 : i1
      %convert_element_type3A_158 = arith.extui %and3A_157 : i1 to i32
      %cond3A_159 = arith.constant 0 : i32
      %cond3A_160 = arith.cmpi ne, %convert_element_type3A_158, %cond3A_159 : i32
      scf.if %cond3A_160 {
        %dma_start3A_201 = arith.constant 0 : i32
        %dma_start3A_202 = tpu.memref_slice %arg6[%sub3A_98, %dma_start3A_201] : memref<79x128xi32, #tpu.memory_space<vmem>> -> memref<1x128xi32, #tpu.memory_space<vmem>>
        %dma_start3A_203 = tpu.memref_squeeze %dma_start3A_202 : memref<1x128xi32, #tpu.memory_space<vmem>> -> memref<128xi32, #tpu.memory_space<vmem>>
        %dma_start3A_204 = arith.constant 0 : i32
        %dma_start3A_205 = arith.constant 0 : i32
        %dma_start3A_206 = tpu.memref_slice %arg2[%dma_start3A_204, %dma_start3A_205] : memref<10000x32xf32, #tpu.memory_space<hbm>> -> memref<10000x32xf32, #tpu.memory_space<hbm>>
        tpu.enqueue_indirect_dma source(%dma_start3A_206 : memref<10000x32xf32, #tpu.memory_space<hbm>>) target(%arg14 : memref<128x32xf32, #tpu.memory_space<vmem>>) offsets(%dma_start3A_203 : memref<128xi32, #tpu.memory_space<vmem>>) semaphore(%arg23 : memref<!tpu.dma_semaphore, #tpu.memory_space<semaphore_mem>>)
      } else {
      }
      %eq3A_161 = arith.constant 0 : i32
      %eq3A_162 = arith.cmpi eq, %select_n3A_95, %eq3A_161 : i32
      %convert_element_type3A_163 = arith.extui %eq3A_162 : i1 to i32
      %cond3A_164 = arith.constant 0 : i32
      %cond3A_165 = arith.cmpi ne, %convert_element_type3A_163, %cond3A_164 : i32
      scf.if %cond3A_165 {
        %dma_wait3A = arith.constant 0 : i32
        %dma_wait3A_201 = tpu.memref_slice %arg6[%scan3A_86, %dma_wait3A] : memref<79x128xi32, #tpu.memory_space<vmem>> -> memref<1x128xi32, #tpu.memory_space<vmem>>
        %dma_wait3A_202 = tpu.memref_squeeze %dma_wait3A_201 : memref<1x128xi32, #tpu.memory_space<vmem>> -> memref<128xi32, #tpu.memory_space<vmem>>
        %dma_wait3A_203 = arith.constant 0 : i32
        %dma_wait3A_204 = arith.constant 0 : i32
        %dma_wait3A_205 = tpu.memref_slice %arg2[%dma_wait3A_203, %dma_wait3A_204] : memref<10000x32xf32, #tpu.memory_space<hbm>> -> memref<10000x32xf32, #tpu.memory_space<hbm>>
        tpu.wait_indirect_dma semaphore(%arg17 : memref<!tpu.dma_semaphore, #tpu.memory_space<semaphore_mem>>) src(%dma_wait3A_205 : memref<10000x32xf32, #tpu.memory_space<hbm>>) dst(%arg8 : memref<128x32xf32, #tpu.memory_space<vmem>>)
        "tpu.region"() ({
          %run_scoped3A = tpu.sem_alloc : memref<!tpu.dma_semaphore, #tpu.memory_space<semaphore_mem>>
          %dma_start3A_206 = arith.constant 0 : i32
          %dma_start3A_207 = tpu.memref_slice %arg7[%scan3A_86, %dma_start3A_206] : memref<79x128xi32, #tpu.memory_space<vmem>> -> memref<1x128xi32, #tpu.memory_space<vmem>>
          %dma_start3A_208 = tpu.memref_squeeze %dma_start3A_207 : memref<1x128xi32, #tpu.memory_space<vmem>> -> memref<128xi32, #tpu.memory_space<vmem>>
          %dma_start3A_209 = arith.constant 0 : i32
          %dma_start3A_210 = arith.constant 0 : i32
          %dma_start3A_211 = tpu.memref_slice %arg16[%dma_start3A_209, %dma_start3A_210] : memref<10112x32xf32, #tpu.memory_space<vmem_shared>> -> memref<10112x32xf32, #tpu.memory_space<vmem_shared>>
          tpu.enqueue_indirect_dma source(%arg8 : memref<128x32xf32, #tpu.memory_space<vmem>>) target(%dma_start3A_211 : memref<10112x32xf32, #tpu.memory_space<vmem_shared>>) offsets(%dma_start3A_208 : memref<128xi32, #tpu.memory_space<vmem>>) semaphore(%run_scoped3A : memref<!tpu.dma_semaphore, #tpu.memory_space<semaphore_mem>>) {add = true}
          %dma_wait3A_212 = arith.constant 0 : i32
          %dma_wait3A_213 = tpu.memref_slice %arg7[%scan3A_86, %dma_wait3A_212] : memref<79x128xi32, #tpu.memory_space<vmem>> -> memref<1x128xi32, #tpu.memory_space<vmem>>
          %dma_wait3A_214 = tpu.memref_squeeze %dma_wait3A_213 : memref<1x128xi32, #tpu.memory_space<vmem>> -> memref<128xi32, #tpu.memory_space<vmem>>
          %dma_wait3A_215 = arith.constant 0 : i32
          %dma_wait3A_216 = arith.constant 0 : i32
          %dma_wait3A_217 = tpu.memref_slice %arg16[%dma_wait3A_215, %dma_wait3A_216] : memref<10112x32xf32, #tpu.memory_space<vmem_shared>> -> memref<10112x32xf32, #tpu.memory_space<vmem_shared>>
          tpu.wait_indirect_dma semaphore(%run_scoped3A : memref<!tpu.dma_semaphore, #tpu.memory_space<semaphore_mem>>) src(%arg8 : memref<128x32xf32, #tpu.memory_space<vmem>>) dst(%dma_wait3A_217 : memref<10112x32xf32, #tpu.memory_space<vmem_shared>>)
          tpu.yield
        }) : () -> ()
      } else {
      }
      %eq3A_166 = arith.constant 1 : i32
      %eq3A_167 = arith.cmpi eq, %select_n3A_95, %eq3A_166 : i32
      %convert_element_type3A_168 = arith.extui %eq3A_167 : i1 to i32
      %cond3A_169 = arith.constant 0 : i32
      %cond3A_170 = arith.cmpi ne, %convert_element_type3A_168, %cond3A_169 : i32
      scf.if %cond3A_170 {
        %dma_wait3A = arith.constant 0 : i32
        %dma_wait3A_201 = tpu.memref_slice %arg6[%scan3A_86, %dma_wait3A] : memref<79x128xi32, #tpu.memory_space<vmem>> -> memref<1x128xi32, #tpu.memory_space<vmem>>
        %dma_wait3A_202 = tpu.memref_squeeze %dma_wait3A_201 : memref<1x128xi32, #tpu.memory_space<vmem>> -> memref<128xi32, #tpu.memory_space<vmem>>
        %dma_wait3A_203 = arith.constant 0 : i32
        %dma_wait3A_204 = arith.constant 0 : i32
        %dma_wait3A_205 = tpu.memref_slice %arg2[%dma_wait3A_203, %dma_wait3A_204] : memref<10000x32xf32, #tpu.memory_space<hbm>> -> memref<10000x32xf32, #tpu.memory_space<hbm>>
        tpu.wait_indirect_dma semaphore(%arg18 : memref<!tpu.dma_semaphore, #tpu.memory_space<semaphore_mem>>) src(%dma_wait3A_205 : memref<10000x32xf32, #tpu.memory_space<hbm>>) dst(%arg9 : memref<128x32xf32, #tpu.memory_space<vmem>>)
        "tpu.region"() ({
          %run_scoped3A = tpu.sem_alloc : memref<!tpu.dma_semaphore, #tpu.memory_space<semaphore_mem>>
          %dma_start3A_206 = arith.constant 0 : i32
          %dma_start3A_207 = tpu.memref_slice %arg7[%scan3A_86, %dma_start3A_206] : memref<79x128xi32, #tpu.memory_space<vmem>> -> memref<1x128xi32, #tpu.memory_space<vmem>>
          %dma_start3A_208 = tpu.memref_squeeze %dma_start3A_207 : memref<1x128xi32, #tpu.memory_space<vmem>> -> memref<128xi32, #tpu.memory_space<vmem>>
          %dma_start3A_209 = arith.constant 0 : i32
          %dma_start3A_210 = arith.constant 0 : i32
          %dma_start3A_211 = tpu.memref_slice %arg16[%dma_start3A_209, %dma_start3A_210] : memref<10112x32xf32, #tpu.memory_space<vmem_shared>> -> memref<10112x32xf32, #tpu.memory_space<vmem_shared>>
          tpu.enqueue_indirect_dma source(%arg9 : memref<128x32xf32, #tpu.memory_space<vmem>>) target(%dma_start3A_211 : memref<10112x32xf32, #tpu.memory_space<vmem_shared>>) offsets(%dma_start3A_208 : memref<128xi32, #tpu.memory_space<vmem>>) semaphore(%run_scoped3A : memref<!tpu.dma_semaphore, #tpu.memory_space<semaphore_mem>>) {add = true}
          %dma_wait3A_212 = arith.constant 0 : i32
          %dma_wait3A_213 = tpu.memref_slice %arg7[%scan3A_86, %dma_wait3A_212] : memref<79x128xi32, #tpu.memory_space<vmem>> -> memref<1x128xi32, #tpu.memory_space<vmem>>
          %dma_wait3A_214 = tpu.memref_squeeze %dma_wait3A_213 : memref<1x128xi32, #tpu.memory_space<vmem>> -> memref<128xi32, #tpu.memory_space<vmem>>
          %dma_wait3A_215 = arith.constant 0 : i32
          %dma_wait3A_216 = arith.constant 0 : i32
          %dma_wait3A_217 = tpu.memref_slice %arg16[%dma_wait3A_215, %dma_wait3A_216] : memref<10112x32xf32, #tpu.memory_space<vmem_shared>> -> memref<10112x32xf32, #tpu.memory_space<vmem_shared>>
          tpu.wait_indirect_dma semaphore(%run_scoped3A : memref<!tpu.dma_semaphore, #tpu.memory_space<semaphore_mem>>) src(%arg9 : memref<128x32xf32, #tpu.memory_space<vmem>>) dst(%dma_wait3A_217 : memref<10112x32xf32, #tpu.memory_space<vmem_shared>>)
          tpu.yield
        }) : () -> ()
      } else {
      }
      %eq3A_171 = arith.constant 2 : i32
      %eq3A_172 = arith.cmpi eq, %select_n3A_95, %eq3A_171 : i32
      %convert_element_type3A_173 = arith.extui %eq3A_172 : i1 to i32
      %cond3A_174 = arith.constant 0 : i32
      %cond3A_175 = arith.cmpi ne, %convert_element_type3A_173, %cond3A_174 : i32
      scf.if %cond3A_175 {
        %dma_wait3A = arith.constant 0 : i32
        %dma_wait3A_201 = tpu.memref_slice %arg6[%scan3A_86, %dma_wait3A] : memref<79x128xi32, #tpu.memory_space<vmem>> -> memref<1x128xi32, #tpu.memory_space<vmem>>
        %dma_wait3A_202 = tpu.memref_squeeze %dma_wait3A_201 : memref<1x128xi32, #tpu.memory_space<vmem>> -> memref<128xi32, #tpu.memory_space<vmem>>
        %dma_wait3A_203 = arith.constant 0 : i32
        %dma_wait3A_204 = arith.constant 0 : i32
        %dma_wait3A_205 = tpu.memref_slice %arg2[%dma_wait3A_203, %dma_wait3A_204] : memref<10000x32xf32, #tpu.memory_space<hbm>> -> memref<10000x32xf32, #tpu.memory_space<hbm>>
        tpu.wait_indirect_dma semaphore(%arg19 : memref<!tpu.dma_semaphore, #tpu.memory_space<semaphore_mem>>) src(%dma_wait3A_205 : memref<10000x32xf32, #tpu.memory_space<hbm>>) dst(%arg10 : memref<128x32xf32, #tpu.memory_space<vmem>>)
        "tpu.region"() ({
          %run_scoped3A = tpu.sem_alloc : memref<!tpu.dma_semaphore, #tpu.memory_space<semaphore_mem>>
          %dma_start3A_206 = arith.constant 0 : i32
          %dma_start3A_207 = tpu.memref_slice %arg7[%scan3A_86, %dma_start3A_206] : memref<79x128xi32, #tpu.memory_space<vmem>> -> memref<1x128xi32, #tpu.memory_space<vmem>>
          %dma_start3A_208 = tpu.memref_squeeze %dma_start3A_207 : memref<1x128xi32, #tpu.memory_space<vmem>> -> memref<128xi32, #tpu.memory_space<vmem>>
          %dma_start3A_209 = arith.constant 0 : i32
          %dma_start3A_210 = arith.constant 0 : i32
          %dma_start3A_211 = tpu.memref_slice %arg16[%dma_start3A_209, %dma_start3A_210] : memref<10112x32xf32, #tpu.memory_space<vmem_shared>> -> memref<10112x32xf32, #tpu.memory_space<vmem_shared>>
          tpu.enqueue_indirect_dma source(%arg10 : memref<128x32xf32, #tpu.memory_space<vmem>>) target(%dma_start3A_211 : memref<10112x32xf32, #tpu.memory_space<vmem_shared>>) offsets(%dma_start3A_208 : memref<128xi32, #tpu.memory_space<vmem>>) semaphore(%run_scoped3A : memref<!tpu.dma_semaphore, #tpu.memory_space<semaphore_mem>>) {add = true}
          %dma_wait3A_212 = arith.constant 0 : i32
          %dma_wait3A_213 = tpu.memref_slice %arg7[%scan3A_86, %dma_wait3A_212] : memref<79x128xi32, #tpu.memory_space<vmem>> -> memref<1x128xi32, #tpu.memory_space<vmem>>
          %dma_wait3A_214 = tpu.memref_squeeze %dma_wait3A_213 : memref<1x128xi32, #tpu.memory_space<vmem>> -> memref<128xi32, #tpu.memory_space<vmem>>
          %dma_wait3A_215 = arith.constant 0 : i32
          %dma_wait3A_216 = arith.constant 0 : i32
          %dma_wait3A_217 = tpu.memref_slice %arg16[%dma_wait3A_215, %dma_wait3A_216] : memref<10112x32xf32, #tpu.memory_space<vmem_shared>> -> memref<10112x32xf32, #tpu.memory_space<vmem_shared>>
          tpu.wait_indirect_dma semaphore(%run_scoped3A : memref<!tpu.dma_semaphore, #tpu.memory_space<semaphore_mem>>) src(%arg10 : memref<128x32xf32, #tpu.memory_space<vmem>>) dst(%dma_wait3A_217 : memref<10112x32xf32, #tpu.memory_space<vmem_shared>>)
          tpu.yield
        }) : () -> ()
      } else {
      }
      %eq3A_176 = arith.constant 3 : i32
      %eq3A_177 = arith.cmpi eq, %select_n3A_95, %eq3A_176 : i32
      %convert_element_type3A_178 = arith.extui %eq3A_177 : i1 to i32
      %cond3A_179 = arith.constant 0 : i32
      %cond3A_180 = arith.cmpi ne, %convert_element_type3A_178, %cond3A_179 : i32
      scf.if %cond3A_180 {
        %dma_wait3A = arith.constant 0 : i32
        %dma_wait3A_201 = tpu.memref_slice %arg6[%scan3A_86, %dma_wait3A] : memref<79x128xi32, #tpu.memory_space<vmem>> -> memref<1x128xi32, #tpu.memory_space<vmem>>
        %dma_wait3A_202 = tpu.memref_squeeze %dma_wait3A_201 : memref<1x128xi32, #tpu.memory_space<vmem>> -> memref<128xi32, #tpu.memory_space<vmem>>
        %dma_wait3A_203 = arith.constant 0 : i32
        %dma_wait3A_204 = arith.constant 0 : i32
        %dma_wait3A_205 = tpu.memref_slice %arg2[%dma_wait3A_203, %dma_wait3A_204] : memref<10000x32xf32, #tpu.memory_space<hbm>> -> memref<10000x32xf32, #tpu.memory_space<hbm>>
        tpu.wait_indirect_dma semaphore(%arg20 : memref<!tpu.dma_semaphore, #tpu.memory_space<semaphore_mem>>) src(%dma_wait3A_205 : memref<10000x32xf32, #tpu.memory_space<hbm>>) dst(%arg11 : memref<128x32xf32, #tpu.memory_space<vmem>>)
        "tpu.region"() ({
          %run_scoped3A = tpu.sem_alloc : memref<!tpu.dma_semaphore, #tpu.memory_space<semaphore_mem>>
          %dma_start3A_206 = arith.constant 0 : i32
          %dma_start3A_207 = tpu.memref_slice %arg7[%scan3A_86, %dma_start3A_206] : memref<79x128xi32, #tpu.memory_space<vmem>> -> memref<1x128xi32, #tpu.memory_space<vmem>>
          %dma_start3A_208 = tpu.memref_squeeze %dma_start3A_207 : memref<1x128xi32, #tpu.memory_space<vmem>> -> memref<128xi32, #tpu.memory_space<vmem>>
          %dma_start3A_209 = arith.constant 0 : i32
          %dma_start3A_210 = arith.constant 0 : i32
          %dma_start3A_211 = tpu.memref_slice %arg16[%dma_start3A_209, %dma_start3A_210] : memref<10112x32xf32, #tpu.memory_space<vmem_shared>> -> memref<10112x32xf32, #tpu.memory_space<vmem_shared>>
          tpu.enqueue_indirect_dma source(%arg11 : memref<128x32xf32, #tpu.memory_space<vmem>>) target(%dma_start3A_211 : memref<10112x32xf32, #tpu.memory_space<vmem_shared>>) offsets(%dma_start3A_208 : memref<128xi32, #tpu.memory_space<vmem>>) semaphore(%run_scoped3A : memref<!tpu.dma_semaphore, #tpu.memory_space<semaphore_mem>>) {add = true}
          %dma_wait3A_212 = arith.constant 0 : i32
          %dma_wait3A_213 = tpu.memref_slice %arg7[%scan3A_86, %dma_wait3A_212] : memref<79x128xi32, #tpu.memory_space<vmem>> -> memref<1x128xi32, #tpu.memory_space<vmem>>
          %dma_wait3A_214 = tpu.memref_squeeze %dma_wait3A_213 : memref<1x128xi32, #tpu.memory_space<vmem>> -> memref<128xi32, #tpu.memory_space<vmem>>
          %dma_wait3A_215 = arith.constant 0 : i32
          %dma_wait3A_216 = arith.constant 0 : i32
          %dma_wait3A_217 = tpu.memref_slice %arg16[%dma_wait3A_215, %dma_wait3A_216] : memref<10112x32xf32, #tpu.memory_space<vmem_shared>> -> memref<10112x32xf32, #tpu.memory_space<vmem_shared>>
          tpu.wait_indirect_dma semaphore(%run_scoped3A : memref<!tpu.dma_semaphore, #tpu.memory_space<semaphore_mem>>) src(%arg11 : memref<128x32xf32, #tpu.memory_space<vmem>>) dst(%dma_wait3A_217 : memref<10112x32xf32, #tpu.memory_space<vmem_shared>>)
          tpu.yield
        }) : () -> ()
      } else {
      }
      %eq3A_181 = arith.constant 4 : i32
      %eq3A_182 = arith.cmpi eq, %select_n3A_95, %eq3A_181 : i32
      %convert_element_type3A_183 = arith.extui %eq3A_182 : i1 to i32
      %cond3A_184 = arith.constant 0 : i32
      %cond3A_185 = arith.cmpi ne, %convert_element_type3A_183, %cond3A_184 : i32
      scf.if %cond3A_185 {
        %dma_wait3A = arith.constant 0 : i32
        %dma_wait3A_201 = tpu.memref_slice %arg6[%scan3A_86, %dma_wait3A] : memref<79x128xi32, #tpu.memory_space<vmem>> -> memref<1x128xi32, #tpu.memory_space<vmem>>
        %dma_wait3A_202 = tpu.memref_squeeze %dma_wait3A_201 : memref<1x128xi32, #tpu.memory_space<vmem>> -> memref<128xi32, #tpu.memory_space<vmem>>
        %dma_wait3A_203 = arith.constant 0 : i32
        %dma_wait3A_204 = arith.constant 0 : i32
        %dma_wait3A_205 = tpu.memref_slice %arg2[%dma_wait3A_203, %dma_wait3A_204] : memref<10000x32xf32, #tpu.memory_space<hbm>> -> memref<10000x32xf32, #tpu.memory_space<hbm>>
        tpu.wait_indirect_dma semaphore(%arg21 : memref<!tpu.dma_semaphore, #tpu.memory_space<semaphore_mem>>) src(%dma_wait3A_205 : memref<10000x32xf32, #tpu.memory_space<hbm>>) dst(%arg12 : memref<128x32xf32, #tpu.memory_space<vmem>>)
        "tpu.region"() ({
          %run_scoped3A = tpu.sem_alloc : memref<!tpu.dma_semaphore, #tpu.memory_space<semaphore_mem>>
          %dma_start3A_206 = arith.constant 0 : i32
          %dma_start3A_207 = tpu.memref_slice %arg7[%scan3A_86, %dma_start3A_206] : memref<79x128xi32, #tpu.memory_space<vmem>> -> memref<1x128xi32, #tpu.memory_space<vmem>>
          %dma_start3A_208 = tpu.memref_squeeze %dma_start3A_207 : memref<1x128xi32, #tpu.memory_space<vmem>> -> memref<128xi32, #tpu.memory_space<vmem>>
          %dma_start3A_209 = arith.constant 0 : i32
          %dma_start3A_210 = arith.constant 0 : i32
          %dma_start3A_211 = tpu.memref_slice %arg16[%dma_start3A_209, %dma_start3A_210] : memref<10112x32xf32, #tpu.memory_space<vmem_shared>> -> memref<10112x32xf32, #tpu.memory_space<vmem_shared>>
          tpu.enqueue_indirect_dma source(%arg12 : memref<128x32xf32, #tpu.memory_space<vmem>>) target(%dma_start3A_211 : memref<10112x32xf32, #tpu.memory_space<vmem_shared>>) offsets(%dma_start3A_208 : memref<128xi32, #tpu.memory_space<vmem>>) semaphore(%run_scoped3A : memref<!tpu.dma_semaphore, #tpu.memory_space<semaphore_mem>>) {add = true}
          %dma_wait3A_212 = arith.constant 0 : i32
          %dma_wait3A_213 = tpu.memref_slice %arg7[%scan3A_86, %dma_wait3A_212] : memref<79x128xi32, #tpu.memory_space<vmem>> -> memref<1x128xi32, #tpu.memory_space<vmem>>
          %dma_wait3A_214 = tpu.memref_squeeze %dma_wait3A_213 : memref<1x128xi32, #tpu.memory_space<vmem>> -> memref<128xi32, #tpu.memory_space<vmem>>
          %dma_wait3A_215 = arith.constant 0 : i32
          %dma_wait3A_216 = arith.constant 0 : i32
          %dma_wait3A_217 = tpu.memref_slice %arg16[%dma_wait3A_215, %dma_wait3A_216] : memref<10112x32xf32, #tpu.memory_space<vmem_shared>> -> memref<10112x32xf32, #tpu.memory_space<vmem_shared>>
          tpu.wait_indirect_dma semaphore(%run_scoped3A : memref<!tpu.dma_semaphore, #tpu.memory_space<semaphore_mem>>) src(%arg12 : memref<128x32xf32, #tpu.memory_space<vmem>>) dst(%dma_wait3A_217 : memref<10112x32xf32, #tpu.memory_space<vmem_shared>>)
          tpu.yield
        }) : () -> ()
      } else {
      }
      %eq3A_186 = arith.constant 5 : i32
      %eq3A_187 = arith.cmpi eq, %select_n3A_95, %eq3A_186 : i32
      %convert_element_type3A_188 = arith.extui %eq3A_187 : i1 to i32
      %cond3A_189 = arith.constant 0 : i32
      %cond3A_190 = arith.cmpi ne, %convert_element_type3A_188, %cond3A_189 : i32
      scf.if %cond3A_190 {
        %dma_wait3A = arith.constant 0 : i32
        %dma_wait3A_201 = tpu.memref_slice %arg6[%scan3A_86, %dma_wait3A] : memref<79x128xi32, #tpu.memory_space<vmem>> -> memref<1x128xi32, #tpu.memory_space<vmem>>
        %dma_wait3A_202 = tpu.memref_squeeze %dma_wait3A_201 : memref<1x128xi32, #tpu.memory_space<vmem>> -> memref<128xi32, #tpu.memory_space<vmem>>
        %dma_wait3A_203 = arith.constant 0 : i32
        %dma_wait3A_204 = arith.constant 0 : i32
        %dma_wait3A_205 = tpu.memref_slice %arg2[%dma_wait3A_203, %dma_wait3A_204] : memref<10000x32xf32, #tpu.memory_space<hbm>> -> memref<10000x32xf32, #tpu.memory_space<hbm>>
        tpu.wait_indirect_dma semaphore(%arg22 : memref<!tpu.dma_semaphore, #tpu.memory_space<semaphore_mem>>) src(%dma_wait3A_205 : memref<10000x32xf32, #tpu.memory_space<hbm>>) dst(%arg13 : memref<128x32xf32, #tpu.memory_space<vmem>>)
        "tpu.region"() ({
          %run_scoped3A = tpu.sem_alloc : memref<!tpu.dma_semaphore, #tpu.memory_space<semaphore_mem>>
          %dma_start3A_206 = arith.constant 0 : i32
          %dma_start3A_207 = tpu.memref_slice %arg7[%scan3A_86, %dma_start3A_206] : memref<79x128xi32, #tpu.memory_space<vmem>> -> memref<1x128xi32, #tpu.memory_space<vmem>>
          %dma_start3A_208 = tpu.memref_squeeze %dma_start3A_207 : memref<1x128xi32, #tpu.memory_space<vmem>> -> memref<128xi32, #tpu.memory_space<vmem>>
          %dma_start3A_209 = arith.constant 0 : i32
          %dma_start3A_210 = arith.constant 0 : i32
          %dma_start3A_211 = tpu.memref_slice %arg16[%dma_start3A_209, %dma_start3A_210] : memref<10112x32xf32, #tpu.memory_space<vmem_shared>> -> memref<10112x32xf32, #tpu.memory_space<vmem_shared>>
          tpu.enqueue_indirect_dma source(%arg13 : memref<128x32xf32, #tpu.memory_space<vmem>>) target(%dma_start3A_211 : memref<10112x32xf32, #tpu.memory_space<vmem_shared>>) offsets(%dma_start3A_208 : memref<128xi32, #tpu.memory_space<vmem>>) semaphore(%run_scoped3A : memref<!tpu.dma_semaphore, #tpu.memory_space<semaphore_mem>>) {add = true}
          %dma_wait3A_212 = arith.constant 0 : i32
          %dma_wait3A_213 = tpu.memref_slice %arg7[%scan3A_86, %dma_wait3A_212] : memref<79x128xi32, #tpu.memory_space<vmem>> -> memref<1x128xi32, #tpu.memory_space<vmem>>
          %dma_wait3A_214 = tpu.memref_squeeze %dma_wait3A_213 : memref<1x128xi32, #tpu.memory_space<vmem>> -> memref<128xi32, #tpu.memory_space<vmem>>
          %dma_wait3A_215 = arith.constant 0 : i32
          %dma_wait3A_216 = arith.constant 0 : i32
          %dma_wait3A_217 = tpu.memref_slice %arg16[%dma_wait3A_215, %dma_wait3A_216] : memref<10112x32xf32, #tpu.memory_space<vmem_shared>> -> memref<10112x32xf32, #tpu.memory_space<vmem_shared>>
          tpu.wait_indirect_dma semaphore(%run_scoped3A : memref<!tpu.dma_semaphore, #tpu.memory_space<semaphore_mem>>) src(%arg13 : memref<128x32xf32, #tpu.memory_space<vmem>>) dst(%dma_wait3A_217 : memref<10112x32xf32, #tpu.memory_space<vmem_shared>>)
          tpu.yield
        }) : () -> ()
      } else {
      }
      %eq3A_191 = arith.constant 6 : i32
      %eq3A_192 = arith.cmpi eq, %select_n3A_95, %eq3A_191 : i32
      %convert_element_type3A_193 = arith.extui %eq3A_192 : i1 to i32
      %cond3A_194 = arith.constant 0 : i32
      %cond3A_195 = arith.cmpi ne, %convert_element_type3A_193, %cond3A_194 : i32
      scf.if %cond3A_195 {
        %dma_wait3A = arith.constant 0 : i32
        %dma_wait3A_201 = tpu.memref_slice %arg6[%scan3A_86, %dma_wait3A] : memref<79x128xi32, #tpu.memory_space<vmem>> -> memref<1x128xi32, #tpu.memory_space<vmem>>
        %dma_wait3A_202 = tpu.memref_squeeze %dma_wait3A_201 : memref<1x128xi32, #tpu.memory_space<vmem>> -> memref<128xi32, #tpu.memory_space<vmem>>
        %dma_wait3A_203 = arith.constant 0 : i32
        %dma_wait3A_204 = arith.constant 0 : i32
        %dma_wait3A_205 = tpu.memref_slice %arg2[%dma_wait3A_203, %dma_wait3A_204] : memref<10000x32xf32, #tpu.memory_space<hbm>> -> memref<10000x32xf32, #tpu.memory_space<hbm>>
        tpu.wait_indirect_dma semaphore(%arg23 : memref<!tpu.dma_semaphore, #tpu.memory_space<semaphore_mem>>) src(%dma_wait3A_205 : memref<10000x32xf32, #tpu.memory_space<hbm>>) dst(%arg14 : memref<128x32xf32, #tpu.memory_space<vmem>>)
        "tpu.region"() ({
          %run_scoped3A = tpu.sem_alloc : memref<!tpu.dma_semaphore, #tpu.memory_space<semaphore_mem>>
          %dma_start3A_206 = arith.constant 0 : i32
          %dma_start3A_207 = tpu.memref_slice %arg7[%scan3A_86, %dma_start3A_206] : memref<79x128xi32, #tpu.memory_space<vmem>> -> memref<1x128xi32, #tpu.memory_space<vmem>>
          %dma_start3A_208 = tpu.memref_squeeze %dma_start3A_207 : memref<1x128xi32, #tpu.memory_space<vmem>> -> memref<128xi32, #tpu.memory_space<vmem>>
          %dma_start3A_209 = arith.constant 0 : i32
          %dma_start3A_210 = arith.constant 0 : i32
          %dma_start3A_211 = tpu.memref_slice %arg16[%dma_start3A_209, %dma_start3A_210] : memref<10112x32xf32, #tpu.memory_space<vmem_shared>> -> memref<10112x32xf32, #tpu.memory_space<vmem_shared>>
          tpu.enqueue_indirect_dma source(%arg14 : memref<128x32xf32, #tpu.memory_space<vmem>>) target(%dma_start3A_211 : memref<10112x32xf32, #tpu.memory_space<vmem_shared>>) offsets(%dma_start3A_208 : memref<128xi32, #tpu.memory_space<vmem>>) semaphore(%run_scoped3A : memref<!tpu.dma_semaphore, #tpu.memory_space<semaphore_mem>>) {add = true}
          %dma_wait3A_212 = arith.constant 0 : i32
          %dma_wait3A_213 = tpu.memref_slice %arg7[%scan3A_86, %dma_wait3A_212] : memref<79x128xi32, #tpu.memory_space<vmem>> -> memref<1x128xi32, #tpu.memory_space<vmem>>
          %dma_wait3A_214 = tpu.memref_squeeze %dma_wait3A_213 : memref<1x128xi32, #tpu.memory_space<vmem>> -> memref<128xi32, #tpu.memory_space<vmem>>
          %dma_wait3A_215 = arith.constant 0 : i32
          %dma_wait3A_216 = arith.constant 0 : i32
          %dma_wait3A_217 = tpu.memref_slice %arg16[%dma_wait3A_215, %dma_wait3A_216] : memref<10112x32xf32, #tpu.memory_space<vmem_shared>> -> memref<10112x32xf32, #tpu.memory_space<vmem_shared>>
          tpu.wait_indirect_dma semaphore(%run_scoped3A : memref<!tpu.dma_semaphore, #tpu.memory_space<semaphore_mem>>) src(%arg14 : memref<128x32xf32, #tpu.memory_space<vmem>>) dst(%dma_wait3A_217 : memref<10112x32xf32, #tpu.memory_space<vmem_shared>>)
          tpu.yield
        }) : () -> ()
      } else {
      }
      %eq3A_196 = arith.constant 7 : i32
      %eq3A_197 = arith.cmpi eq, %select_n3A_95, %eq3A_196 : i32
      %convert_element_type3A_198 = arith.extui %eq3A_197 : i1 to i32
      %cond3A_199 = arith.constant 0 : i32
      %cond3A_200 = arith.cmpi ne, %convert_element_type3A_198, %cond3A_199 : i32
      scf.if %cond3A_200 {
        %dma_wait3A = arith.constant 0 : i32
        %dma_wait3A_201 = tpu.memref_slice %arg6[%scan3A_86, %dma_wait3A] : memref<79x128xi32, #tpu.memory_space<vmem>> -> memref<1x128xi32, #tpu.memory_space<vmem>>
        %dma_wait3A_202 = tpu.memref_squeeze %dma_wait3A_201 : memref<1x128xi32, #tpu.memory_space<vmem>> -> memref<128xi32, #tpu.memory_space<vmem>>
        %dma_wait3A_203 = arith.constant 0 : i32
        %dma_wait3A_204 = arith.constant 0 : i32
        %dma_wait3A_205 = tpu.memref_slice %arg2[%dma_wait3A_203, %dma_wait3A_204] : memref<10000x32xf32, #tpu.memory_space<hbm>> -> memref<10000x32xf32, #tpu.memory_space<hbm>>
        tpu.wait_indirect_dma semaphore(%arg24 : memref<!tpu.dma_semaphore, #tpu.memory_space<semaphore_mem>>) src(%dma_wait3A_205 : memref<10000x32xf32, #tpu.memory_space<hbm>>) dst(%arg15 : memref<128x32xf32, #tpu.memory_space<vmem>>)
        "tpu.region"() ({
          %run_scoped3A = tpu.sem_alloc : memref<!tpu.dma_semaphore, #tpu.memory_space<semaphore_mem>>
          %dma_start3A_206 = arith.constant 0 : i32
          %dma_start3A_207 = tpu.memref_slice %arg7[%scan3A_86, %dma_start3A_206] : memref<79x128xi32, #tpu.memory_space<vmem>> -> memref<1x128xi32, #tpu.memory_space<vmem>>
          %dma_start3A_208 = tpu.memref_squeeze %dma_start3A_207 : memref<1x128xi32, #tpu.memory_space<vmem>> -> memref<128xi32, #tpu.memory_space<vmem>>
          %dma_start3A_209 = arith.constant 0 : i32
          %dma_start3A_210 = arith.constant 0 : i32
          %dma_start3A_211 = tpu.memref_slice %arg16[%dma_start3A_209, %dma_start3A_210] : memref<10112x32xf32, #tpu.memory_space<vmem_shared>> -> memref<10112x32xf32, #tpu.memory_space<vmem_shared>>
          tpu.enqueue_indirect_dma source(%arg15 : memref<128x32xf32, #tpu.memory_space<vmem>>) target(%dma_start3A_211 : memref<10112x32xf32, #tpu.memory_space<vmem_shared>>) offsets(%dma_start3A_208 : memref<128xi32, #tpu.memory_space<vmem>>) semaphore(%run_scoped3A : memref<!tpu.dma_semaphore, #tpu.memory_space<semaphore_mem>>) {add = true}
          %dma_wait3A_212 = arith.constant 0 : i32
          %dma_wait3A_213 = tpu.memref_slice %arg7[%scan3A_86, %dma_wait3A_212] : memref<79x128xi32, #tpu.memory_space<vmem>> -> memref<1x128xi32, #tpu.memory_space<vmem>>
          %dma_wait3A_214 = tpu.memref_squeeze %dma_wait3A_213 : memref<1x128xi32, #tpu.memory_space<vmem>> -> memref<128xi32, #tpu.memory_space<vmem>>
          %dma_wait3A_215 = arith.constant 0 : i32
          %dma_wait3A_216 = arith.constant 0 : i32
          %dma_wait3A_217 = tpu.memref_slice %arg16[%dma_wait3A_215, %dma_wait3A_216] : memref<10112x32xf32, #tpu.memory_space<vmem_shared>> -> memref<10112x32xf32, #tpu.memory_space<vmem_shared>>
          tpu.wait_indirect_dma semaphore(%run_scoped3A : memref<!tpu.dma_semaphore, #tpu.memory_space<semaphore_mem>>) src(%arg15 : memref<128x32xf32, #tpu.memory_space<vmem>>) dst(%dma_wait3A_217 : memref<10112x32xf32, #tpu.memory_space<vmem_shared>>)
          tpu.yield
        }) : () -> ()
      } else {
      }
    }
    %scan3A_80 = arith.constant 79 : i32
    %barrier3A_81 = arith.constant 0 : index
    tpu.barrier barrier_id(%barrier3A_81)
    %mul3A_82 = arith.constant 632 : i32
    %mul3A_83 = arith.muli %arg1, %mul3A_82 : i32
    %mul3A_84 = arith.constant 632 : i32
    %mul3A_85 = arith.muli %arg1, %mul3A_84 : i32
    "tpu.region"() ({
      %run_scoped3A = tpu.sem_alloc : memref<!tpu.dma_semaphore, #tpu.memory_space<semaphore_mem>>
      %dma_start3A_86 = arith.constant 0 : i32
      %dma_start3A_87 = tpu.memref_slice %arg5[%arg0, %mul3A_85, %dma_start3A_86] : memref<2x10112x32xf32, #tpu.memory_space<hbm>> -> memref<1x632x32xf32, #tpu.memory_space<hbm>>
      %dma_start3A_88 = tpu.memref_squeeze %dma_start3A_87 : memref<1x632x32xf32, #tpu.memory_space<hbm>> -> memref<632x32xf32, #tpu.memory_space<hbm>>
      %dma_start3A_89 = arith.constant 0 : i32
      %dma_start3A_90 = tpu.memref_slice %arg16[%mul3A_83, %dma_start3A_89] : memref<10112x32xf32, #tpu.memory_space<vmem_shared>> -> memref<632x32xf32, #tpu.memory_space<vmem_shared>>
      tpu.enqueue_dma source(%dma_start3A_90 : memref<632x32xf32, #tpu.memory_space<vmem_shared>>) target(%dma_start3A_88 : memref<632x32xf32, #tpu.memory_space<hbm>>) target_semaphore(%run_scoped3A : memref<!tpu.dma_semaphore, #tpu.memory_space<semaphore_mem>>)
      %dma_wait3A = arith.constant 0 : i32
      %dma_wait3A_91 = tpu.memref_slice %arg5[%arg0, %mul3A_85, %dma_wait3A] : memref<2x10112x32xf32, #tpu.memory_space<hbm>> -> memref<1x632x32xf32, #tpu.memory_space<hbm>>
      %dma_wait3A_92 = tpu.memref_squeeze %dma_wait3A_91 : memref<1x632x32xf32, #tpu.memory_space<hbm>> -> memref<632x32xf32, #tpu.memory_space<hbm>>
      %dma_wait3A_93 = arith.constant 0 : i32
      %dma_wait3A_94 = tpu.memref_slice %arg16[%mul3A_83, %dma_wait3A_93] : memref<10112x32xf32, #tpu.memory_space<vmem_shared>> -> memref<632x32xf32, #tpu.memory_space<vmem_shared>>
      tpu.wait_dma2 semaphore(%run_scoped3A : memref<!tpu.dma_semaphore, #tpu.memory_space<semaphore_mem>>) src(%dma_wait3A_94 : memref<632x32xf32, #tpu.memory_space<vmem_shared>>) dst(%dma_wait3A_92 : memref<632x32xf32, #tpu.memory_space<hbm>>)
      tpu.yield
    }) : () -> ()
    return
  }
}

module attributes {stable_mosaic.version = 14 : i64} {
  func.func @_matmul_body(%arg0: memref<10000x128xf32, #tpu.memory_space<vmem>>, %arg1: memref<128x32xf32, #tpu.memory_space<vmem>>, %arg2: memref<10000x32xf32, #tpu.memory_space<vmem>>) attributes {dimension_semantics = [], scalar_prefetch = 0 : i64, scratch_operands = 0 : i64, tpu.core_type = #tpu.core_type<tc>} {
    %get3A = arith.constant 0 : index
    %get3A_0 = arith.constant 0 : index
    %get3A_1 = vector.load %arg0[%get3A, %get3A_0] : memref<10000x128xf32, #tpu.memory_space<vmem>>, vector<10000x128xf32>
    %get3A_2 = arith.constant 0 : index
    %get3A_3 = arith.constant 0 : index
    %get3A_4 = vector.load %arg1[%get3A_2, %get3A_3] : memref<128x32xf32, #tpu.memory_space<vmem>>, vector<128x32xf32>
    %dot_general3A = arith.constant dense<0.000000e+00> : vector<10000x32xf32>
    %dot_general3A_5 = tpu.matmul %get3A_1, %get3A_4, %dot_general3A {dimension_numbers = #tpu.dot_dimension_numbers<[1], [0], [0], [1], [0, 0, 1, 1], [], []>, transpose_lhs_hint = false} : vector<10000x128xf32>, vector<128x32xf32>, vector<10000x32xf32> -> vector<10000x32xf32>
    %swap3A = arith.constant 0 : index
    %swap3A_6 = arith.constant 0 : index
    %swap3A_7 = vector.load %arg2[%swap3A, %swap3A_6] : memref<10000x32xf32, #tpu.memory_space<vmem>>, vector<10000x32xf32>
    tpu.vector_store %arg2[%swap3A, %swap3A_6], %dot_general3A_5 {strides = array<i32>} : memref<10000x32xf32, #tpu.memory_space<vmem>>, vector<10000x32xf32>,
    return
  }
}

module attributes {stable_mosaic.version = 14 : i64} {
  func.func @_scale_body(%arg0: memref<10000x32xf32, #tpu.memory_space<vmem>>, %arg1: memref<32x10112xf32, #tpu.memory_space<vmem>>, %arg2: memref<10000x32xf32, #tpu.memory_space<vmem>>, %arg3: memref<10000x1xf32, #tpu.memory_space<vmem>>) attributes {dimension_semantics = [], scalar_prefetch = 0 : i64, scratch_operands = 0 : i64, tpu.core_type = #tpu.core_type<tc>} {
    %get3A = arith.constant 0 : index
    %get3A_0 = arith.constant 0 : index
    %get3A_1 = vector.load %arg1[%get3A, %get3A_0] : memref<32x10112xf32, #tpu.memory_space<vmem>>, vector<32x10112xf32>
    %reduce_sum3A = arith.constant dense<0.000000e+00> : vector<10112xf32>
    %reduce_sum3A_2 = vector.multi_reduction <add>, %get3A_1, %reduce_sum3A [0] : vector<32x10112xf32> to vector<10112xf32>
    %slice3A = vector.extract_strided_slice %reduce_sum3A_2 {offsets = [0], sizes = [10000], strides = [1]} : vector<10112xf32> to vector<10000xf32>
    %add3A = arith.constant 1.000000e+00 : f32
    %add3A_3 = vector.broadcast %add3A : f32 to vector<10000xf32>
    %add3A_4 = arith.addf %slice3A, %add3A_3 : vector<10000xf32>
    %rsqrt3A = math.rsqrt %add3A_4 : vector<10000xf32>
    %get3A_5 = arith.constant 0 : index
    %get3A_6 = arith.constant 0 : index
    %get3A_7 = vector.load %arg0[%get3A_5, %get3A_6] : memref<10000x32xf32, #tpu.memory_space<vmem>>, vector<10000x32xf32>
    %broadcast_in_dim3A = vector.shape_cast %rsqrt3A : vector<10000xf32> to vector<10000x1xf32>
    %mul3A = vector.broadcast %broadcast_in_dim3A : vector<10000x1xf32> to vector<10000x32xf32>
    %mul3A_8 = arith.mulf %get3A_7, %mul3A : vector<10000x32xf32>
    %swap3A = arith.constant 0 : index
    %swap3A_9 = arith.constant 0 : index
    %swap3A_10 = vector.load %arg2[%swap3A, %swap3A_9] : memref<10000x32xf32, #tpu.memory_space<vmem>>, vector<10000x32xf32>
    tpu.vector_store %arg2[%swap3A, %swap3A_9], %mul3A_8 {strides = array<i32>} : memref<10000x32xf32, #tpu.memory_space<vmem>>, vector<10000x32xf32>,
    %broadcast_in_dim3A_11 = vector.shape_cast %rsqrt3A : vector<10000xf32> to vector<10000x1xf32>
    %swap3A_12 = arith.constant 0 : index
    %swap3A_13 = arith.constant 0 : index
    %swap3A_14 = vector.load %arg3[%swap3A_12, %swap3A_13] : memref<10000x1xf32, #tpu.memory_space<vmem>>, vector<10000x1xf32>
    tpu.vector_store %arg3[%swap3A_12, %swap3A_13], %broadcast_in_dim3A_11 {strides = array<i32>} : memref<10000x1xf32, #tpu.memory_space<vmem>>, vector<10000x1xf32>,
    return
  }
}

module attributes {stable_mosaic.version = 14 : i64} {
  func.func @_head_body(%arg0: memref<2x10112x32xf32, #tpu.memory_space<vmem>>, %arg1: memref<10000x32xf32, #tpu.memory_space<vmem>>, %arg2: memref<10000x1xf32, #tpu.memory_space<vmem>>, %arg3: memref<1x32xf32, #tpu.memory_space<vmem>>, %arg4: memref<1x32xf32, #tpu.memory_space<vmem>>, %arg5: memref<1x32xf32, #tpu.memory_space<vmem>>, %arg6: memref<1x10000xi32, #tpu.memory_space<vmem>>, %arg7: memref<32x32xf32, #tpu.memory_space<vmem>>, %arg8: memref<1x32xf32, #tpu.memory_space<vmem>>, %arg9: memref<1x32xf32, #tpu.memory_space<vmem>>, %arg10: memref<1x32xf32, #tpu.memory_space<vmem>>, %arg11: memref<32x1xf32, #tpu.memory_space<vmem>>, %arg12: memref<1x1xf32, #tpu.memory_space<vmem>>, %arg13: memref<64x1xf32, #tpu.memory_space<vmem>>) attributes {dimension_semantics = [], scalar_prefetch = 0 : i64, scratch_operands = 0 : i64, tpu.core_type = #tpu.core_type<tc>} {
    %get3A = arith.constant 0 : index
    %get3A_0 = arith.constant 0 : index
    %get3A_1 = arith.constant 0 : index
    %get3A_2 = vector.load %arg0[%get3A, %get3A_0, %get3A_1] : memref<2x10112x32xf32, #tpu.memory_space<vmem>>, vector<1x10000x32xf32>
    %get3A_3 = vector.shape_cast %get3A_2 : vector<1x10000x32xf32> to vector<10000x32xf32>
    %get3A_4 = arith.constant 1 : index
    %get3A_5 = arith.constant 0 : index
    %get3A_6 = arith.constant 0 : index
    %get3A_7 = vector.load %arg0[%get3A_4, %get3A_5, %get3A_6] : memref<2x10112x32xf32, #tpu.memory_space<vmem>>, vector<1x10000x32xf32>
    %get3A_8 = vector.shape_cast %get3A_7 : vector<1x10000x32xf32> to vector<10000x32xf32>
    %add3A = arith.addf %get3A_3, %get3A_8 : vector<10000x32xf32>
    %get3A_9 = arith.constant 0 : index
    %get3A_10 = arith.constant 0 : index
    %get3A_11 = vector.load %arg1[%get3A_9, %get3A_10] : memref<10000x32xf32, #tpu.memory_space<vmem>>, vector<10000x32xf32>
    %add3A_12 = arith.addf %add3A, %get3A_11 : vector<10000x32xf32>
    %get3A_13 = arith.constant 0 : index
    %get3A_14 = arith.constant 0 : index
    %get3A_15 = vector.load %arg2[%get3A_13, %get3A_14] : memref<10000x1xf32, #tpu.memory_space<vmem>>, vector<10000x1xf32>
    %mul3A = vector.broadcast %get3A_15 : vector<10000x1xf32> to vector<10000x32xf32>
    %mul3A_16 = arith.mulf %add3A_12, %mul3A : vector<10000x32xf32>
    %get3A_17 = arith.constant 0 : index
    %get3A_18 = arith.constant 0 : index
    %get3A_19 = vector.load %arg3[%get3A_17, %get3A_18] : memref<1x32xf32, #tpu.memory_space<vmem>>, vector<1x32xf32>
    %add3A_20 = vector.broadcast %get3A_19 : vector<1x32xf32> to vector<10000x32xf32>
    %add3A_21 = arith.addf %mul3A_16, %add3A_20 : vector<10000x32xf32>
    %reduce_sum3A = arith.constant dense<0.000000e+00> : vector<32xf32>
    %reduce_sum3A_22 = vector.multi_reduction <add>, %add3A_21, %reduce_sum3A [0] : vector<10000x32xf32> to vector<32xf32>
    %broadcast_in_dim3A = vector.shape_cast %reduce_sum3A_22 : vector<32xf32> to vector<1x32xf32>
    %div3A = arith.constant 1.000000e+04 : f32
    %div3A_23 = vector.broadcast %div3A : f32 to vector<1x32xf32>
    %div3A_24 = arith.divf %broadcast_in_dim3A, %div3A_23 : vector<1x32xf32>
    %sub3A = vector.broadcast %div3A_24 : vector<1x32xf32> to vector<10000x32xf32>
    %sub3A_25 = arith.subf %add3A_21, %sub3A : vector<10000x32xf32>
    %integer_pow3A = arith.mulf %sub3A_25, %sub3A_25 : vector<10000x32xf32>
    %reduce_sum3A_26 = arith.constant dense<0.000000e+00> : vector<32xf32>
    %reduce_sum3A_27 = vector.multi_reduction <add>, %integer_pow3A, %reduce_sum3A_26 [0] : vector<10000x32xf32> to vector<32xf32>
    %broadcast_in_dim3A_28 = vector.shape_cast %reduce_sum3A_27 : vector<32xf32> to vector<1x32xf32>
    %div3A_29 = arith.constant 1.000000e+04 : f32
    %div3A_30 = vector.broadcast %div3A_29 : f32 to vector<1x32xf32>
    %div3A_31 = arith.divf %broadcast_in_dim3A_28, %div3A_30 : vector<1x32xf32>
    %get3A_32 = arith.constant 0 : index
    %get3A_33 = arith.constant 0 : index
    %get3A_34 = vector.load %arg4[%get3A_32, %get3A_33] : memref<1x32xf32, #tpu.memory_space<vmem>>, vector<1x32xf32>
    %sub3A_35 = vector.broadcast %div3A_24 : vector<1x32xf32> to vector<10000x32xf32>
    %sub3A_36 = arith.subf %add3A_21, %sub3A_35 : vector<10000x32xf32>
    %mul3A_37 = vector.broadcast %get3A_34 : vector<1x32xf32> to vector<10000x32xf32>
    %mul3A_38 = arith.mulf %mul3A_37, %sub3A_36 : vector<10000x32xf32>
    %add3A_39 = arith.constant 9.99999974E-6 : f32
    %add3A_40 = vector.broadcast %add3A_39 : f32 to vector<1x32xf32>
    %add3A_41 = arith.addf %div3A_31, %add3A_40 : vector<1x32xf32>
    %rsqrt3A = math.rsqrt %add3A_41 : vector<1x32xf32>
    %mul3A_42 = vector.broadcast %rsqrt3A : vector<1x32xf32> to vector<10000x32xf32>
    %mul3A_43 = arith.mulf %mul3A_38, %mul3A_42 : vector<10000x32xf32>
    %get3A_44 = arith.constant 0 : index
    %get3A_45 = arith.constant 0 : index
    %get3A_46 = vector.load %arg5[%get3A_44, %get3A_45] : memref<1x32xf32, #tpu.memory_space<vmem>>, vector<1x32xf32>
    %add3A_47 = vector.broadcast %get3A_46 : vector<1x32xf32> to vector<10000x32xf32>
    %add3A_48 = arith.addf %mul3A_43, %add3A_47 : vector<10000x32xf32>
    %max3A = arith.constant 0.000000e+00 : f32
    %max3A_49 = vector.broadcast %max3A : f32 to vector<10000x32xf32>
    %max3A_50 = arith.maximumf %add3A_48, %max3A_49 : vector<10000x32xf32>
    %iota3A = tpu.iota {dimensions = array<i32: 0>} : vector<64x10000xi32>
    %get3A_51 = arith.constant 0 : index
    %get3A_52 = arith.constant 0 : index
    %get3A_53 = vector.load %arg6[%get3A_51, %get3A_52] : memref<1x10000xi32, #tpu.memory_space<vmem>>, vector<1x10000xi32>
    %eq3A = vector.broadcast %get3A_53 : vector<1x10000xi32> to vector<64x10000xi32>
    %eq3A_54 = arith.cmpi eq, %iota3A, %eq3A : vector<64x10000xi32>
    %jit3A = arith.constant 1.000000e+00 : f32
    %jit3A_55 = arith.constant 0.000000e+00 : f32
    %broadcast_in_dim3A_56 = vector.broadcast %jit3A : f32 to vector<64x10000xf32>
    %broadcast_in_dim3A_57 = vector.broadcast %jit3A_55 : f32 to vector<64x10000xf32>
    %select_n3A = arith.select %eq3A_54, %broadcast_in_dim3A_56, %broadcast_in_dim3A_57 : vector<64x10000xi1>, vector<64x10000xf32>
    %dot_general3A = arith.constant dense<0.000000e+00> : vector<64x32xf32>
    %dot_general3A_58 = tpu.matmul %select_n3A, %max3A_50, %dot_general3A {dimension_numbers = #tpu.dot_dimension_numbers<[1], [0], [0], [1], [0, 0, 1, 1], [], []>, precision = #tpu.contract_precision<fp32>, transpose_lhs_hint = false} : vector<64x10000xf32>, vector<10000x32xf32>, vector<64x32xf32> -> vector<64x32xf32>
    %reduce_sum3A_59 = arith.constant dense<0.000000e+00> : vector<64xf32>
    %reduce_sum3A_60 = vector.multi_reduction <add>, %select_n3A, %reduce_sum3A_59 [1] : vector<64x10000xf32> to vector<64xf32>
    %broadcast_in_dim3A_61 = vector.shape_cast %reduce_sum3A_60 : vector<64xf32> to vector<64x1xf32>
    %max3A_62 = arith.constant 1.000000e+00 : f32
    %max3A_63 = vector.broadcast %max3A_62 : f32 to vector<64x1xf32>
    %max3A_64 = arith.maximumf %broadcast_in_dim3A_61, %max3A_63 : vector<64x1xf32>
    %div3A_65 = vector.broadcast %max3A_64 : vector<64x1xf32> to vector<64x32xf32>
    %div3A_66 = arith.divf %dot_general3A_58, %div3A_65 : vector<64x32xf32>
    %get3A_67 = arith.constant 0 : index
    %get3A_68 = arith.constant 0 : index
    %get3A_69 = vector.load %arg7[%get3A_67, %get3A_68] : memref<32x32xf32, #tpu.memory_space<vmem>>, vector<32x32xf32>
    %dot_general3A_70 = arith.constant dense<0.000000e+00> : vector<64x32xf32>
    %dot_general3A_71 = tpu.matmul %div3A_66, %get3A_69, %dot_general3A_70 {dimension_numbers = #tpu.dot_dimension_numbers<[1], [0], [0], [1], [0, 0, 1, 1], [], []>, transpose_lhs_hint = false} : vector<64x32xf32>, vector<32x32xf32>, vector<64x32xf32> -> vector<64x32xf32>
    %get3A_72 = arith.constant 0 : index
    %get3A_73 = arith.constant 0 : index
    %get3A_74 = vector.load %arg8[%get3A_72, %get3A_73] : memref<1x32xf32, #tpu.memory_space<vmem>>, vector<1x32xf32>
    %add3A_75 = vector.broadcast %get3A_74 : vector<1x32xf32> to vector<64x32xf32>
    %add3A_76 = arith.addf %dot_general3A_71, %add3A_75 : vector<64x32xf32>
    %reduce_sum3A_77 = arith.constant dense<0.000000e+00> : vector<32xf32>
    %reduce_sum3A_78 = vector.multi_reduction <add>, %add3A_76, %reduce_sum3A_77 [0] : vector<64x32xf32> to vector<32xf32>
    %broadcast_in_dim3A_79 = vector.shape_cast %reduce_sum3A_78 : vector<32xf32> to vector<1x32xf32>
    %div3A_80 = arith.constant 6.400000e+01 : f32
    %div3A_81 = vector.broadcast %div3A_80 : f32 to vector<1x32xf32>
    %div3A_82 = arith.divf %broadcast_in_dim3A_79, %div3A_81 : vector<1x32xf32>
    %sub3A_83 = vector.broadcast %div3A_82 : vector<1x32xf32> to vector<64x32xf32>
    %sub3A_84 = arith.subf %add3A_76, %sub3A_83 : vector<64x32xf32>
    %integer_pow3A_85 = arith.mulf %sub3A_84, %sub3A_84 : vector<64x32xf32>
    %reduce_sum3A_86 = arith.constant dense<0.000000e+00> : vector<32xf32>
    %reduce_sum3A_87 = vector.multi_reduction <add>, %integer_pow3A_85, %reduce_sum3A_86 [0] : vector<64x32xf32> to vector<32xf32>
    %broadcast_in_dim3A_88 = vector.shape_cast %reduce_sum3A_87 : vector<32xf32> to vector<1x32xf32>
    %div3A_89 = arith.constant 6.400000e+01 : f32
    %div3A_90 = vector.broadcast %div3A_89 : f32 to vector<1x32xf32>
    %div3A_91 = arith.divf %broadcast_in_dim3A_88, %div3A_90 : vector<1x32xf32>
    %get3A_92 = arith.constant 0 : index
    %get3A_93 = arith.constant 0 : index
    %get3A_94 = vector.load %arg9[%get3A_92, %get3A_93] : memref<1x32xf32, #tpu.memory_space<vmem>>, vector<1x32xf32>
    %sub3A_95 = vector.broadcast %div3A_82 : vector<1x32xf32> to vector<64x32xf32>
    %sub3A_96 = arith.subf %add3A_76, %sub3A_95 : vector<64x32xf32>
    %mul3A_97 = vector.broadcast %get3A_94 : vector<1x32xf32> to vector<64x32xf32>
    %mul3A_98 = arith.mulf %mul3A_97, %sub3A_96 : vector<64x32xf32>
    %add3A_99 = arith.constant 9.99999974E-6 : f32
    %add3A_100 = vector.broadcast %add3A_99 : f32 to vector<1x32xf32>
    %add3A_101 = arith.addf %div3A_91, %add3A_100 : vector<1x32xf32>
    %rsqrt3A_102 = math.rsqrt %add3A_101 : vector<1x32xf32>
    %mul3A_103 = vector.broadcast %rsqrt3A_102 : vector<1x32xf32> to vector<64x32xf32>
    %mul3A_104 = arith.mulf %mul3A_98, %mul3A_103 : vector<64x32xf32>
    %get3A_105 = arith.constant 0 : index
    %get3A_106 = arith.constant 0 : index
    %get3A_107 = vector.load %arg10[%get3A_105, %get3A_106] : memref<1x32xf32, #tpu.memory_space<vmem>>, vector<1x32xf32>
    %add3A_108 = vector.broadcast %get3A_107 : vector<1x32xf32> to vector<64x32xf32>
    %add3A_109 = arith.addf %mul3A_104, %add3A_108 : vector<64x32xf32>
    %max3A_110 = arith.constant 0.000000e+00 : f32
    %max3A_111 = vector.broadcast %max3A_110 : f32 to vector<64x32xf32>
    %max3A_112 = arith.maximumf %add3A_109, %max3A_111 : vector<64x32xf32>
    %get3A_113 = arith.constant 0 : index
    %get3A_114 = arith.constant 0 : index
    %get3A_115 = vector.load %arg11[%get3A_113, %get3A_114] : memref<32x1xf32, #tpu.memory_space<vmem>>, vector<32x1xf32>
    %dot_general3A_116 = arith.constant dense<0.000000e+00> : vector<64x1xf32>
    %dot_general3A_117 = tpu.matmul %max3A_112, %get3A_115, %dot_general3A_116 {dimension_numbers = #tpu.dot_dimension_numbers<[1], [0], [0], [1], [0, 0, 1, 1], [], []>, transpose_lhs_hint = false} : vector<64x32xf32>, vector<32x1xf32>, vector<64x1xf32> -> vector<64x1xf32>
    %get3A_118 = arith.constant 0 : index
    %get3A_119 = arith.constant 0 : index
    %get3A_120 = vector.load %arg12[%get3A_118, %get3A_119] : memref<1x1xf32, #tpu.memory_space<vmem>>, vector<1x1xf32>
    %add3A_121 = vector.broadcast %get3A_120 : vector<1x1xf32> to vector<64x1xf32>
    %add3A_122 = arith.addf %dot_general3A_117, %add3A_121 : vector<64x1xf32>
    %swap3A = arith.constant 0 : index
    %swap3A_123 = arith.constant 0 : index
    %swap3A_124 = vector.load %arg13[%swap3A, %swap3A_123] : memref<64x1xf32, #tpu.memory_space<vmem>>, vector<64x1xf32>
    tpu.vector_store %arg13[%swap3A, %swap3A_123], %add3A_122 {strides = array<i32>} : memref<64x1xf32, #tpu.memory_space<vmem>>, vector<64x1xf32>,
    return
  }
}

</mosaic_0001>

<sc_bundles>
// kernel: kernel.10.cloned.1.call-start
scs
__scs_entry_jumppad:
0x0: {  	(pc) =	sbr.rel $0x88, $3  }
0x1: {  	(tag) =	ssettag $0x0;
	lr =	simm.s32 $0x1  }
0x2: {  	[smem:$0x3F94] =	sst lr;
	_ =	strace $0xD0000000  }
0x3: {  	_ = 	snop  }
0x4: {  	_ = 	snop  }
0x5: {  	_ = 	snop  }
0x6: {  	_ = 	snop  }
0x7: {  	_ = 	snop  }
__scs_overlays_trampoline_lowered:
0x8: {  	[smem:$0x3FA3] =	sst s0  }
0x9: {  	[smem:$0x3FA4] =	sst s1  }
0xa: {  	[smem:$0x3FA5] =	sst s2  }
0xb: {  	[smem:$0x3FA6] =	sst s3  }
0xc: {  	[smem:$0x3FA7] =	sst s4  }
0xd: {  	[smem:$0x3FA8] =	sst s5  }
0xe: {  	[smem:$0x3FA9] =	sst s6  }
0xf: {  	[smem:$0x3FAA] =	sst s7  }
0x10: {  	[smem:$0x3FAB] =	sst s8  }
0x11: {  	[smem:$0x3FAC] =	sst s9;
	s0 =	simm.s32 @!p0 $0x0  }
0x12: {  	s1 =	sld [smem:$0x3F92];
	s0 =	simm.s32 @p0 $0x1  }
0x13: {  	[smem:$0x3FAD] =	sst s0;
	s0 =	simm.s32 @!p1 $0x0  }
0x14: {  	s2 =	sld [smem:$0x3F91];
	s0 =	simm.s32 @p1 $0x1  }
0x15: {  	[smem:$0x3FAE] =	sst s0;
	s0 =	simm.s32 @!p2 $0x0  }
0x16: {  	s3 =	sld [smem:$0x3FDB];
	s0 =	simm.s32 @p2 $0x1  }
0x17: {  	s4 =	simm.s32 $0x1BF5;
	[smem:$0x3FB0] =	sst s0  }
0x18: {  	s0 =	sld [smem:$0x3F93];
	_ =	swait.ge [sflag:s4], $0x0  }
0x19: {  	s7 =	sld [smem:$0x3F94]  }
0x1a: {  	s8 =	sadd.s32 $0xFFFFE003, lr  }
0x1b: {  	s9 =	sadd.s32 $0xFFFFFEF7, lr;
	s5 =	simm.s32 $0xFFFFFFFF;
	p2 =	slt.u32 s8, $0xFFFFF086  }
0x1c: {  	p1 =	slt.u32 s9, $0xF7A;
	s5 =	simm.s32 @!p2 $0x0  }
0x1d: {  	s5 =	simm.s32 @p1 $0x1;
	p0 =	seq.s32 s7, s2  }
0x1e: {  	s7 =	smul.u32 @!p0 $0xF7A, s2;
	p2 =	seq.s32 @!p0 s5, $0x0  }
0x1f: {  	s9 =	smul.u32 $0xF7A, s1;
	s8 =	simm.s32 @!p0 $0x1BF5;
	p2 =	por !p2, p0  }
0x20: {  	[sflag:s8] =	ssyncset.s32 @!p0 $0xFFFFF086;
	s6 =	sadd.s32 @!p0 s3, s7;
	s7 =	simm.s32 @!p0 $0x108  }
0x21: {  	s3 =	sadd.s32 s3, s9;
	s6 =	sadd.s32 @!p0 $0x88, s6;
	s7 =	simm.s32 @p2 $0x1082  }
0x22: {  	[simem:s7], [sflag:s8] =	dma.local @!p0 [hbm:s6], $0xF7A  }
0x23: {  	s9 =	sor.u32 $0xD0000000, s2;
	s6 =	simm.s32 $0x108;
	_ =	swait.ge @!p0 [sflag:s8], $0x0  }
0x24: {  	s3 =	sadd.s32 $0x88, s3;
	s6 =	simm.s32 @!p1 $0x1082;
	[sflag:s4] =	ssyncset.s32 $0xFFFFF086  }
0x25: {  	[simem:s6], [sflag:s4] =	dma.local [hbm:s3], $0xF7A  }
0x26: {  	[smem:$0x3F94] =	sst s1;
	(tag) =	ssettag s2;
	_ =	strace s9  }
0x27: {  	s1 =	sld [smem:$0x3FA4]  }
0x28: {  	s2 =	sld [smem:$0x3FA5]  }
0x29: {  	s4 =	sld [smem:$0x3FA7]  }
0x2a: {  	p0 =	seq.s32 s5, $0x0;
	s5 =	sld [smem:$0x3FA8]  }
0x2b: {  	s6 =	sld [smem:$0x3FA9]  }
0x2c: {  	s7 =	sld [smem:$0x3FAA]  }
0x2d: {  	s3 =	simm.s32 $0x108;
	s8 =	sld [smem:$0x3FAB]  }
0x2e: {  	s3 =	simm.s32 @!p0 $0x1082;
	s9 =	sld [smem:$0x3FAC]  }
0x2f: {  	lr =	sadd.s32 s0, s3;
	s0 =	sld [smem:$0x3FA3]  }
0x30: {  	s3 =	sld [smem:$0x3FA6]  }
0x31: {  	[smem:$0x3FAF] =	sst s10  }
0x32: {  	s10 =	sld [smem:$0x3FAD];
	_ =	sdelay $0x3  }
0x33: {  	p0 =	seq.s32 s10, $0x1;
	s10 =	sld [smem:$0x3FAF];
	_ =	sdelay $0x3  }
0x34: {  	[smem:$0x3FAF] =	sst s10  }
0x35: {  	s10 =	sld [smem:$0x3FAE];
	_ =	sdelay $0x3  }
0x36: {  	p1 =	seq.s32 s10, $0x1;
	s10 =	sld [smem:$0x3FAF];
	_ =	sdelay $0x3  }
0x37: {  	[smem:$0x3FAF] =	sst s10  }
0x38: {  	s10 =	sld [smem:$0x3FB0]  }
0x39: {  	_ = 	snop;
	(pc) =	sbr.ind lr, $3  }
0x3a: {  	_ = 	snop  }
0x3b: {  	_ = 	snop  }
0x3c: {  	p2 =	seq.s32 s10, $0x1;
	s10 =	sld [smem:$0x3FAF]  }
0x3d: {  	_ =	shalt  }
0x3e: {  	_ =	shalt  }
0x3f: {  	_ =	shalt  }
0x40: {  	_ =	shalt  }
0x41: {  	_ =	shalt  }
0x42: {  	_ =	shalt  }
0x43: {  	_ =	shalt  }
0x44: {  	_ =	shalt  }
0x45: {  	_ =	shalt  }
0x46: {  	_ =	shalt  }
0x47: {  	_ =	shalt  }
0x48: {  	_ =	shalt  }
0x49: {  	_ =	shalt  }
0x4a: {  	_ =	shalt  }
0x4b: {  	_ =	shalt  }
0x4c: {  	_ =	shalt  }
0x4d: {  	_ =	shalt  }
0x4e: {  	_ =	shalt  }
0x4f: {  	_ =	shalt  }
0x50: {  	_ =	shalt  }
0x51: {  	_ =	shalt  }
0x52: {  	_ =	shalt  }
0x53: {  	_ =	shalt  }
0x54: {  	_ =	shalt  }
0x55: {  	_ =	shalt  }
0x56: {  	_ =	shalt  }
0x57: {  	_ =	shalt  }
0x58: {  	_ =	shalt  }
0x59: {  	_ =	shalt  }
0x5a: {  	_ =	shalt  }
0x5b: {  	_ =	shalt  }
0x5c: {  	_ =	shalt  }
0x5d: {  	_ =	shalt  }
0x5e: {  	_ =	shalt  }
0x5f: {  	_ =	shalt  }
0x60: {  	_ =	shalt  }
0x61: {  	_ =	shalt  }
0x62: {  	_ =	shalt  }
0x63: {  	_ =	shalt  }
0x64: {  	_ =	shalt  }
0x65: {  	_ =	shalt  }
0x66: {  	_ =	shalt  }
0x67: {  	_ =	shalt  }
0x68: {  	_ =	shalt  }
0x69: {  	_ =	shalt  }
0x6a: {  	_ =	shalt  }
0x6b: {  	_ =	shalt  }
0x6c: {  	_ =	shalt  }
0x6d: {  	_ =	shalt  }
0x6e: {  	_ =	shalt  }
0x6f: {  	_ =	shalt  }
0x70: {  	_ =	shalt  }
0x71: {  	_ =	shalt  }
0x72: {  	_ =	shalt  }
0x73: {  	_ =	shalt  }
0x74: {  	_ =	shalt  }
0x75: {  	_ =	shalt  }
0x76: {  	_ =	shalt  }
0x77: {  	_ =	shalt  }
0x78: {  	_ =	shalt  }
0x79: {  	_ =	shalt  }
0x7a: {  	_ =	shalt  }
0x7b: {  	_ =	shalt  }
0x7c: {  	_ =	shalt  }
0x7d: {  	_ =	shalt  }
0x7e: {  	_ =	shalt  }
0x7f: {  	_ =	shalt  }
0x80: {  	_ =	shalt  }
0x81: {  	_ =	shalt  }
0x82: {  	_ =	shalt  }
0x83: {  	_ =	shalt  }
0x84: {  	_ =	shalt  }
0x85: {  	_ =	shalt  }
0x86: {  	_ =	shalt  }
0x87: {  	_ =	shalt  }
.Lfunc_end0:
.L_simem_size_0:
called_computation.1_lowered:
.L_overlay_start_0:
0x88: {  	s2 =	sld [smem:$0x3FD9]  }
0x89: {  	s3 =	sld [smem:$0x3FFE];
	_ =	sdelay $0x1  }
0x8a: {  	s1 =	srdreg.scid  }
0x8b: {  	s0 =	sand.u32 $0x1, s1  }
0x8c: {  	s16 =	sshll.u32 s0, $0xA;
	s2 =	sadd.s32 s3, s2  }
0x8d: {  	s2 =	sadd.s32 s2, s16  }
0x8e: {  	[smem:$0x3FBB] =	sst s2  }
0x8f: {  	_ = 	snop  }
0x90: {  	(tm) =	ssettm $0x1  }
0x91: {  	s17 =	sld [smem:$0x3FFB];
	_ =	sdelay $0x3  }
0x92: {  	_ =	strace s17  }
0x93: {  	s2 =	sld [smem:$0x3FFC];
	_ =	sdelay $0x3  }
0x94: {  	_ =	strace s2  }
0x95: {  	s2 =	sld [smem:$0x3FFD];
	_ =	sdelay $0x3  }
0x96: {  	_ =	strace s2  }
0x97: {  	_ =	strace $0x8FFFFFFF  }
0x98: {  	s18 =	sld [smem:$0x3FDB];
	_ =	sdelay $0x1  }
0x99: {  	s19 =	simm.s32 $_scs_section_size  }
0x9a: {  	s4 =	simm.s32 $_size__tile_overlayer_lowered;
	s5 =	simm.s32 $_tile_overlayer_lowered  }
0x9b: {  	s22 =	simm.s32 $0x1BFF;
	s21 =	sshll.u32 s5, $0x1;
	s2 =	sadd.s32 s19, s18  }
0x9c: {  	s6 =	simm.s32 $0x0;
	s20 =	sshll.u32 s4, $0x1;
	s4 =	sadd.s32 s21, s2  }
0x9d: {  	[timem:s6], [sflag:s22] =	dma.local [hbm:s4], s20  }
0x9e: {  	_ =	swait.ge [sflag:s22], s20  }
0x9f: {  	s3 =	ssub.s32 $0x0, s20;
	[sflag:s22] =	ssyncset.done $0x0  }
0xa0: {  	[sflag:s22] =	ssyncadd.s32 s3;
	_ =	sdelay $0x1  }
0xa1: {  	s23 =	simm.s32 $0x1B8B  }
0xa2: {  	_ =	swait.ge [sflag:s23], $0x1  }
0xa3: {  	[sflag:s23] =	ssyncset.done $0x0  }
0xa4: {  	s25 =	simm.s32 $0x1B8E;
	s24 =	sld [smem:$0x3FFE];
	[sflag:s23] =	ssyncadd.s32 $0xFFFFFFFF  }
0xa5: {  	s26 =	simm.s32 $execute0_lowered;
	[smem:$0x3FD2] =	sst s25  }
0xa6: {  	s4 =	sshll.u32 s26, $0x1;
	_ =	strace $0x80000049;
	[dreg:$0x1] =	wrdreg $0xFFFFFFFF  }
0xa7: {  	s28 =	simm.s32 $_size_execute0_lowered;
	s2 =	sadd.s32 s2, s4;
	[dreg:$0x0] =	wrdreg $0x0  }
0xa8: {  	s4 =	sshll.u32 s28, $0x1;
	[dreg:$0x2] =	wrdreg s2  }
0xa9: {  	[dreg:$0x3] =	wrdreg s4  }
0xaa: {  	[dreg:$0x4] =	wrdreg $0xC0  }
0xab: {  	_ =	task [dreg:s6], $0x5FFFF  }
0xac: {  	[dreg:$0x1] =	wrdreg $0xFFFFFFFF  }
0xad: {  	[dreg:$0x0] =	wrdreg $0x60  }
0xae: {  	[dreg:$0x2] =	wrdreg s24  }
0xaf: {  	[dreg:$0x3] =	wrdreg $0xCF000  }
0xb0: {  	[dreg:$0x4] =	wrdreg $0x9  }
0xb1: {  	_ =	task.clear_ibuf [dreg:s6], $0x5FFFF;
	_ =	strace $0x90000049  }
0xb2: {  	s29 =	simm.s32 $0x9;
	_ =	strace $0x8000004B  }
0xb3: {  	_ =	swait.ge [sflag:s29], $0x1  }
0xb4: {  	[sflag:s29] =	ssyncadd.s32 $0xFFFFFFFF  }
0xb5: {  	_ =	strace $0x9000004B  }
0xb6: {  	_ =	sfence  }
0xb7: {  	s30 =	sld [smem:$0x0];
	_ =	sdelay $0x2  }
0xb8: {  	s31 =	sshll.u32 s1, $0xD;
	s1 =	sshrl.u32 s1, $0x2  }
0xb9: {  	s3 =	sand.u32 $0x4000, s31;
	s1 =	sadd.s32 s1, s30  }
0xba: {  	s0 =	sor.u32 s3, s0;
	s1 =	sshll.u32 s1, $0x11  }
0xbb: {  	s0 =	sor.u32 s1, s0  }
0xbc: {  	s0 =	sadd.s32 $0x8F2B, s0  }
0xbd: {  	[sflag:s0] =	ssyncadd.remote.s32 $0x1  }
0xbe: {  	_ =	sfence.sel $0xFFFF  }
0xbf: {  	[dreg:$0x0] =	wrdreg $0xFFFFFFFF;
	(pc) =	sbr.abs _section_cstart, $3  }
0xc0: {  	[dreg:$0x1] =	wrdreg $0xFFFFFFFF  }
0xc1: {  	_ =	task.clear_ibuf [dreg:s6], $0x2FFFF;
	_ =	strace $0x9FFFFFFF  }
0xc2: {  	(tm) =	ssettm $0x7FFFFFFF  }
0xc3: {  	_ =	shalt  }
tec
execute0_lowered:
.L_overlay_start_1:
0x0: {  	(tag) =	ssettag $0x1  }
0x1: {  	s0 =	rddreg [dreg:$0x0]  }
0x2: {  	s2 =	rddreg [dreg:$0x1];
	s4 =	simm.s32 $0x0;
	s1 =	srdreg.scid  }
0x3: {  	s7 =	stileid.u32;
	s14 =	simm.s32 $0x9;
	s16 =	simm.s32 $0x4F00  }
0x4: {  	s17 =	simm.s32 $0x80;
	s18 =	simm.s32 $0x5F00;
	s20 =	simm.s32 $0x6F00  }
0x5: {  	s29 =	simm.s32 $0xAF00;
	s30 =	simm.s32 $0xBF00;
	s31 =	simm.s32 $0x1  }
0x6: {  	s15 =	simm.s32 $0x2;
	s19 =	simm.s32 $0x3;
	s21 =	simm.s32 $0x4  }
0x7: {  	s28 =	simm.s32 $0x7;
	s1 =	sand.u32 $0x1, s1;
	s5 =	smul.u32 $0x4F00, s7  }
0x8: {  	s3 =	sshll.u32 s7, $0x1;
	[smem:$0x7FF] =	sst s4;
	s7 =	smul.u32 $0x13C00, s7  }
0x9: {  	s4 =	sadd.s32 $0xB600, s0;
	s3 =	sor.u32 s1, s3;
	s6 =	smul.u32 $0x4F000, s1  }
0xa: {  	_ =	strace $0x8000004A;
	s1 =	ssub.s32 $0x2, s1;
	s3 =	smul.u32 $0x4F0, s3  }
0xb: {  	s8 =	sshrl.u32 s1, $0x1;
	s22 =	sshrl.u32 s7, $0x2;
	s7 =	sadd.s32 s5, s2  }
0xc: {  	s6 =	sadd.s32 s5, s6;
	s1 =	ssub.s32 s1, s8;
	s24 =	sadd.s32 s22, s2  }
0xd: {  	s22 =	simm.s32 $0x7F00;
	s3 =	sadd.s32 s3, s0;
	s6 =	sshrl.u32 s6, $0x3  }
0xe: {  	s25 =	sadd.s32 $0x1000, s24;
	s26 =	sadd.s32 $0x2000, s24;
	s10 =	sadd.s32 $0x3000, s24  }
0xf: {  	s11 =	sadd.s32 $0x4000, s24;
	s13 =	smax.u32 s1, $0x1;
	s24 =	simm.s32 $0x8F00  }
.Ltmp0:
0x10: {  	s1 =	simm.s32 $0x8;
	[dreg:$0x5] =	wrdreg s25;
	(pc) =	sbr.rel .LBB2_1-.Ltmp0, $4  }
0x11: {  	s0 =	sadd.s32 s6, s0;
	s23 =	sadd.s32 $0x15400, s3;
	[dreg:$0x6] =	wrdreg s26  }
0x12: {  	s3 =	sadd.s32 $0x1800, s3;
	s26 =	simm.s32 $0x9F00;
	[dreg:$0x3] =	wrdreg s23  }
0x13: {  	s25 =	simm.s32 $0x6;
	[dreg:$0x4] =	wrdreg s3;
	s12 =	sadd.s32 $0x1F200, s0  }
0x14: {  	v0 =	vimm.f32 $0.0e+00;
	s0 =	simm.s32 $0xA;
	s23 =	simm.s32 $0x5;
	s3 =	simm.s32 $0x0  }
.LBB2_41:
0x15: {  	s5 =	stileid.u32;
	s3 =	sadd.s32 $0x1, s3  }
0x16: {  	[bflag:$0x0] =	sbarrier.arrive $0xFFFF;
	s5 =	sshll.u32 s5, $0x6;
	p0 =	sne.s32 s3, s13  }
.Ltmp1:
0x17: {  	s6 =	sshrl.u32 s7, $0x3;
	s5 =	sor.u32 $0x1C09, s5;
	(pc) =	sbr.rel @!p0 .LBB2_42-.Ltmp1, $4  }
0x18: {  	[hbm:s12], [sflag:s5] =	dma.local [spmem:s6], $0x9E0  }
0x19: {  	_ =	swait.ge [sflag:s14], $0x9E0  }
0x1a: {  	[sflag:s14] =	ssyncset.done $0x0  }
0x1b: {  	[sflag:s14] =	ssyncadd.s32 $0xFFFFF620  }
.LBB2_1:
0x1c: {  	s5 =	simm.s32 $0x0;
	s6 =	rddreg [dreg:$0x3]  }
0x1d: {  	[tilespmem:s5], [sflag:$0x9] =	stream.linear.gather [hbm4b:s6+s5], $0x2780, $0x38;
	[tilespmem:$0x11E00] =	vst v63  }
0x1e: {  	_ =	swait.ge [sflag:s14], $0x2780  }
0x1f: {  	[sflag:s14] =	ssyncset.done $0x0  }
0x20: {  	s8 =	simm.s32 $0x2780;
	s9 =	rddreg [dreg:$0x4];
	[sflag:s14] =	ssyncadd.s32 $0xFFFFD880  }
0x21: {  	[tilespmem:s8], [sflag:$0x9] =	stream.linear.gather [hbm4b:s9+s5], $0x2780, $0x38;
	[tilespmem:$0x11E00] =	vst v63  }
0x22: {  	_ =	swait.ge [sflag:s14], $0x2780  }
0x23: {  	[sflag:s14] =	ssyncset.done $0x0  }
0x24: {  	s5 =	simm.s32 $0x4F40;
	[sflag:s14] =	ssyncadd.s32 $0xFFFFD880  }
0x25: {  	[tilespmem:s5+$0xFFFFFFC0] =	vst v0  }
0x26: {  	[tilespmem:s5+$0x30] =	vst v0  }
0x27: {  	[tilespmem:s5+$0x20] =	vst v0  }
0x28: {  	[tilespmem:s5+$0x10] =	vst v0  }
0x29: {  	[tilespmem:s5+$0x0] =	vst v0  }
0x2a: {  	[tilespmem:s5+$0xFFFFFFF0] =	vst v0  }
0x2b: {  	s6 =	simm.s32 $0x0;
	[tilespmem:s5+$0xFFFFFFE0] =	vst v0  }
.LBB2_2:
0x2c: {  	s6 =	sadd.s32 $0x8, s6;
	[tilespmem:s5+$0xFFFFFFD0] =	vst v0;
	s5 =	sadd.s32 $0x80, s5  }
0x2d: {  	[tilespmem:s5+$0xFFFFFFC0] =	vst v0;
	p0 =	slt.u32 s6, $0xF8  }
0x2e: {  	[tilespmem:s5+$0x30] =	vst v0  }
.Ltmp2:
0x2f: {  	[tilespmem:s5+$0x20] =	vst v0;
	(pc) =	sbr.rel @p0 .LBB2_2-.Ltmp2, $4  }
0x30: {  	[tilespmem:s5+$0x10] =	vst v0  }
0x31: {  	[tilespmem:s5+$0x0] =	vst v0  }
0x32: {  	[tilespmem:s5+$0xFFFFFFF0] =	vst v0  }
0x33: {  	[tilespmem:s5+$0xFFFFFFE0] =	vst v0  }
0x34: {  	[tilespmem:s5+$0xFFFFFFD0] =	vst v0  }
0x35: {  	[spmem:s7] =	stream.linear.scatter [tilespmem:s16], [sflag:$0x9], $0x1000, $0x38;
	[tilespmem:$0x11E00] =	vst v63  }
0x36: {  	_ =	swait.ge [sflag:s14], $0x1000  }
0x37: {  	[sflag:s14] =	ssyncset.done $0x0  }
0x38: {  	s6 =	rddreg [dreg:$0x5];
	[sflag:s14] =	ssyncadd.s32 $0xFFFFF000  }
0x39: {  	[spmem:s6] =	stream.linear.scatter [tilespmem:s16], [sflag:$0x9], $0x1000, $0x38;
	[tilespmem:$0x11E00] =	vst v63  }
0x3a: {  	_ =	swait.ge [sflag:s14], $0x1000  }
0x3b: {  	[sflag:s14] =	ssyncset.done $0x0  }
0x3c: {  	s8 =	rddreg [dreg:$0x6];
	[sflag:s14] =	ssyncadd.s32 $0xFFFFF000  }
0x3d: {  	[spmem:s8] =	stream.linear.scatter [tilespmem:s16], [sflag:$0x9], $0x1000, $0x38;
	[tilespmem:$0x11E00] =	vst v63  }
0x3e: {  	_ =	swait.ge [sflag:s14], $0x1000  }
0x3f: {  	[sflag:s14] =	ssyncset.done $0x0  }
0x40: {  	[sflag:s14] =	ssyncadd.s32 $0xFFFFF000  }
0x41: {  	[spmem:s10] =	stream.linear.scatter [tilespmem:s16], [sflag:$0x9], $0x1000, $0x38;
	[tilespmem:$0x11E00] =	vst v63  }
0x42: {  	_ =	swait.ge [sflag:s14], $0x1000  }
0x43: {  	[sflag:s14] =	ssyncset.done $0x0  }
0x44: {  	[sflag:s14] =	ssyncadd.s32 $0xFFFFF000  }
0x45: {  	[spmem:s11] =	stream.linear.scatter [tilespmem:s16], [sflag:$0x9], $0xF00, $0x38;
	[tilespmem:$0x11E00] =	vst v63  }
0x46: {  	_ =	swait.ge [sflag:s14], $0xF00  }
0x47: {  	[sflag:s14] =	ssyncset.done $0x0  }
0x48: {  	[sflag:s14] =	ssyncadd.s32 $0xFFFFF100  }
0x49: {  	s8 =	simm.s32 $0x0;
	[bflag:$0x0] =	sbarrier.arrive $0xFFFF  }
0x4a: {  	[tilespmem:s16], [sflag:$0x1] =	stream.indirect.gather [hbm4b:s4+s17], $0x20, s8, s17, $0xb8;
	[tilespmem:$0x11E00] =	vst v63  }
0x4b: {  	_ = 	snop  }
0x4c: {  	[tilespmem:s18], [sflag:$0x2] =	stream.indirect.gather [hbm4b:s4+s17], $0x20, s17, s17, $0xb8;
	[tilespmem:$0x11E00] =	vst v63  }
0x4d: {  	s9 =	simm.s32 $0x100  }
0x4e: {  	[tilespmem:s20], [sflag:$0x3] =	stream.indirect.gather [hbm4b:s4+s17], $0x20, s9, s17, $0xb8;
	[tilespmem:$0x11E00] =	vst v63  }
0x4f: {  	s6 =	simm.s32 $0x180  }
0x50: {  	[tilespmem:s22], [sflag:$0x4] =	stream.indirect.gather [hbm4b:s4+s17], $0x20, s6, s17, $0xb8;
	[tilespmem:$0x11E00] =	vst v63  }
0x51: {  	s9 =	simm.s32 $0x200  }
0x52: {  	[tilespmem:s24], [sflag:$0x5] =	stream.indirect.gather [hbm4b:s4+s17], $0x20, s9, s17, $0xb8;
	[tilespmem:$0x11E00] =	vst v63  }
.Ltmp3:
0x53: {  	_ = 	snop;
	(pc) =	sbr.rel .LBB2_4-.Ltmp3, $4  }
0x54: {  	s6 =	simm.s32 $0x280  }
0x55: {  	[tilespmem:s26], [sflag:$0x6] =	stream.indirect.gather [hbm4b:s4+s17], $0x20, s6, s17, $0xb8;
	[tilespmem:$0x11E00] =	vst v63  }
0x56: {  	s9 =	simm.s32 $0x300;
	s6 =	simm.s32 $0x0  }
0x57: {  	[tilespmem:s29], [sflag:$0x7] =	stream.indirect.gather [hbm4b:s4+s17], $0x20, s9, s17, $0xb8;
	[tilespmem:$0x11E00] =	vst v63  }
.LBB2_13:
0x58: {  	p1 =	sne.s32 @!p0 s5, $0x7  }
0x59: {  	p0 =	por p0, p1  }
.Ltmp4:
0x5a: {  	_ = 	snop;
	(pc) =	sbr.rel @p0 .LBB2_19-.Ltmp4, $1  }
0x5b: {  	_ =	sdelay $0x3  }
0x5c: {  	s5 =	sshra.s32 s8, $0x2  }
0x5d: {  	s5 =	sadd.s32 $0x380, s5  }
0x5e: {  	[tilespmem:s29], [sflag:$0x7] =	stream.indirect.gather [hbm4b:s4+s17], $0x20, s5, s17, $0xb8;
	[tilespmem:$0x11E00] =	vst v63  }
0x5f: {  	s5 =	smov.u32 s8  }
.LBB2_39:
0x60: {  	_ =	swait.ge [sflag:s1], $0x1000  }
0x61: {  	s5 =	sshra.s32 s5, $0x2;
	[sflag:s1] =	ssyncset.done $0x0  }
0x62: {  	s5 =	sadd.s32 $0x2780, s5;
	[sflag:s1] =	ssyncadd.s32 $0xFFFFF000  }
0x63: {  	[spmem:s2] =	stream.indirect.scatter.add.f32 [tilespmem:s30], [sflag:$0x9], $0x20, s5, s17, $0xb8;
	[tilespmem:$0x11E00] =	vst v63  }
0x64: {  	_ =	swait.ge [sflag:s14], $0x1000  }
0x65: {  	[sflag:s14] =	ssyncset.done $0x0  }
0x66: {  	[sflag:s14] =	ssyncadd.s32 $0xFFFFF000  }
.LBB2_40:
0x67: {  	s8 =	sadd.s32 $0x200, s8  }
0x68: {  	p0 =	sne.s32 s8, $0x9E00  }
.Ltmp5:
0x69: {  	_ = 	snop;
	(pc) =	sbr.rel @!p0 .LBB2_41-.Ltmp5, $2  }
0x6a: {  	_ =	sdelay $0x2  }
0x6b: {  	s6 =	sadd.s32 $0x1, s6  }
.LBB2_4:
0x6c: {  	s5 =	sand.u32 $0x7, s6;
	p0 =	sgt.u32 s6, $0x47  }
0x6d: {  	p1 =	sne.s32 @!p0 s5, $0x0  }
0x6e: {  	p1 =	por p0, p1  }
.Ltmp6:
0x6f: {  	_ = 	snop;
	(pc) =	sbr.rel @p1 .LBB2_6-.Ltmp6, $1  }
0x70: {  	_ =	sdelay $0x3  }
0x71: {  	s5 =	sshra.s32 s8, $0x2;
	p1 =	por $0x0, $0x0;
	p3 =	por $0x0, $0x0  }
0x72: {  	p5 =	por $0x0, $0x0;
	p6 =	por $0x0, $0x0;
	p4 =	por $0x0, $0x0  }
0x73: {  	p2 =	por $0x0, $0x0;
	p0 =	por $0x0, $0x0;
	s5 =	sadd.s32 $0x380, s5  }
0x74: {  	[tilespmem:s30], [sflag:$0x8] =	stream.indirect.gather [hbm4b:s4+s17], $0x20, s5, s17, $0xb8;
	[tilespmem:$0x11E00] =	vst v63  }
.LBB2_29:
0x75: {  	_ =	swait.ge [sflag:s31], $0x1000  }
0x76: {  	s5 =	sshra.s32 s8, $0x2;
	[sflag:s31] =	ssyncset.done $0x0  }
.Ltmp7:
0x77: {  	s5 =	sadd.s32 $0x2780, s5;
	[sflag:s31] =	ssyncadd.s32 $0xFFFFF000;
	(pc) =	sbr.rel @!p6 .LBB2_22-.Ltmp7, $4  }
0x78: {  	[spmem:s2] =	stream.indirect.scatter.add.f32 [tilespmem:s16], [sflag:$0xA], $0x20, s5, s17, $0xb8;
	[tilespmem:$0x11E00] =	vst v63  }
0x79: {  	_ =	swait.ge [sflag:s0], $0x1000  }
0x7a: {  	[sflag:s0] =	ssyncset.done $0x0  }
0x7b: {  	[sflag:s0] =	ssyncadd.s32 $0xFFFFF000  }
.Ltmp8:
0x7c: {  	(pc) =	sbr.rel .LBB2_33-.Ltmp8, $2  }
0x7d: {  	_ =	sdelay $0x2  }
0x7e: {  	s5 =	sshll.u32 s6, $0x9  }
.LBB2_6:
0x7f: {  	p1 =	seq.s32 @!p0 s5, $0x1  }
0x80: {  	p1 =	por p0, !p1  }
.Ltmp9:
0x81: {  	_ = 	snop;
	(pc) =	sbr.rel @p1 .LBB2_7-.Ltmp9, $1  }
0x82: {  	_ =	sdelay $0x3  }
0x83: {  	s5 =	sshra.s32 s8, $0x2;
	p0 =	por $0x0, $0x0  }
0x84: {  	p2 =	por $0x0, $0x0;
	p4 =	por $0x0, $0x0;
	p5 =	por $0x0, $0x0  }
0x85: {  	p3 =	por $0x0, $0x0;
	p1 =	por $0x0, $0x0;
	s5 =	sadd.s32 $0x380, s5  }
0x86: {  	[tilespmem:s16], [sflag:$0x1] =	stream.indirect.gather [hbm4b:s4+s17], $0x20, s5, s17, $0xb8;
	[tilespmem:$0x11E00] =	vst v63  }
.LBB2_32:
0x87: {  	s5 =	sshll.u32 s6, $0x9  }
.LBB2_33:
0x88: {  	_ =	swait.ge [sflag:s15], $0x1000  }
0x89: {  	s9 =	sshra.s32 s8, $0x2;
	[sflag:s15] =	ssyncset.done $0x0  }
0x8a: {  	s9 =	sadd.s32 $0x2780, s9;
	[sflag:s15] =	ssyncadd.s32 $0xFFFFF000  }
0x8b: {  	[spmem:s2] =	stream.indirect.scatter.add.f32 [tilespmem:s18], [sflag:$0xA], $0x20, s9, s17, $0xb8;
	[tilespmem:$0x11E00] =	vst v63  }
.Ltmp10:
0x8c: {  	_ = 	snop;
	(pc) =	sbr.rel @!p5 .LBB2_23-.Ltmp10, $4  }
.Ltmp11:
0x8d: {  	_ = 	snop;
	(pc) =	sbr.rel @p5 .LBB2_34-.Ltmp11, $4  }
0x8e: {  	_ =	swait.ge [sflag:s0], $0x1000  }
0x8f: {  	[sflag:s0] =	ssyncset.done $0x0  }
0x90: {  	[sflag:s0] =	ssyncadd.s32 $0xFFFFF000  }
0x91: {  	_ = 	snop  }
.LBB2_7:
0x92: {  	p1 =	seq.s32 @!p0 s5, $0x2  }
0x93: {  	p1 =	por p0, !p1  }
.Ltmp12:
0x94: {  	_ = 	snop;
	(pc) =	sbr.rel @p1 .LBB2_8-.Ltmp12, $1  }
0x95: {  	_ =	sdelay $0x3  }
.Ltmp13:
0x96: {  	(pc) =	sbr.rel .LBB2_34-.Ltmp13, $4  }
0x97: {  	s5 =	sshra.s32 s8, $0x2;
	p1 =	por $0x0, $0x0  }
0x98: {  	p3 =	por $0x0, $0x0;
	p4 =	por $0x0, $0x0;
	s5 =	sadd.s32 $0x380, s5  }
0x99: {  	[tilespmem:s18], [sflag:$0x2] =	stream.indirect.gather [hbm4b:s4+s17], $0x20, s5, s17, $0xb8;
	[tilespmem:$0x11E00] =	vst v63  }
0x9a: {  	p2 =	por $0x0, $0x0;
	p0 =	por $0x0, $0x0;
	s5 =	smov.u32 s8  }
.LBB2_8:
0x9b: {  	p1 =	seq.s32 @!p0 s5, $0x3  }
0x9c: {  	p1 =	por p0, !p1  }
.Ltmp14:
0x9d: {  	_ = 	snop;
	(pc) =	sbr.rel @p1 .LBB2_9-.Ltmp14, $1  }
0x9e: {  	_ =	sdelay $0x3  }
.Ltmp15:
0x9f: {  	(pc) =	sbr.rel .LBB2_35-.Ltmp15, $4  }
0xa0: {  	s5 =	sshra.s32 s8, $0x2  }
0xa1: {  	p0 =	por $0x0, $0x0;
	p2 =	por $0x0, $0x0;
	s5 =	sadd.s32 $0x380, s5  }
0xa2: {  	[tilespmem:s20], [sflag:$0x3] =	stream.indirect.gather [hbm4b:s4+s17], $0x20, s5, s17, $0xb8;
	[tilespmem:$0x11E00] =	vst v63  }
0xa3: {  	p3 =	por $0x0, $0x0;
	p1 =	por $0x0, $0x0;
	s5 =	smov.u32 s8  }
.LBB2_9:
0xa4: {  	p1 =	seq.s32 @!p0 s5, $0x4  }
0xa5: {  	p1 =	por p0, !p1  }
.Ltmp16:
0xa6: {  	_ = 	snop;
	(pc) =	sbr.rel @p1 .LBB2_10-.Ltmp16, $1  }
0xa7: {  	_ =	sdelay $0x3  }
.Ltmp17:
0xa8: {  	(pc) =	sbr.rel .LBB2_36-.Ltmp17, $4  }
0xa9: {  	s5 =	sshra.s32 s8, $0x2  }
0xaa: {  	p1 =	por $0x0, $0x0;
	s5 =	sadd.s32 $0x380, s5  }
0xab: {  	[tilespmem:s22], [sflag:$0x4] =	stream.indirect.gather [hbm4b:s4+s17], $0x20, s5, s17, $0xb8;
	[tilespmem:$0x11E00] =	vst v63  }
0xac: {  	p2 =	por $0x0, $0x0;
	p0 =	por $0x0, $0x0;
	s5 =	smov.u32 s8  }
.LBB2_10:
0xad: {  	p1 =	sne.s32 @!p0 s5, $0x5  }
0xae: {  	p1 =	por p0, p1  }
.Ltmp18:
0xaf: {  	_ = 	snop;
	(pc) =	sbr.rel @p1 .LBB2_12-.Ltmp18, $1  }
0xb0: {  	_ =	sdelay $0x3  }
.Ltmp19:
0xb1: {  	(pc) =	sbr.rel .LBB2_37-.Ltmp19, $4  }
0xb2: {  	s5 =	sshra.s32 s8, $0x2  }
0xb3: {  	s5 =	sadd.s32 $0x380, s5  }
0xb4: {  	[tilespmem:s24], [sflag:$0x5] =	stream.indirect.gather [hbm4b:s4+s17], $0x20, s5, s17, $0xb8;
	[tilespmem:$0x11E00] =	vst v63  }
0xb5: {  	p0 =	por $0x0, $0x0;
	p1 =	por $0x0, $0x0;
	s5 =	smov.u32 s8  }
.LBB2_12:
0xb6: {  	p1 =	seq.s32 @!p0 s5, $0x6  }
0xb7: {  	p1 =	por p0, !p1  }
.Ltmp20:
0xb8: {  	_ = 	snop;
	(pc) =	sbr.rel @p1 .LBB2_13-.Ltmp20, $1  }
0xb9: {  	_ =	sdelay $0x3  }
.Ltmp21:
0xba: {  	(pc) =	sbr.rel .LBB2_38-.Ltmp21, $4  }
0xbb: {  	s5 =	sshra.s32 s8, $0x2  }
0xbc: {  	s5 =	sadd.s32 $0x380, s5  }
0xbd: {  	[tilespmem:s26], [sflag:$0x6] =	stream.indirect.gather [hbm4b:s4+s17], $0x20, s5, s17, $0xb8;
	[tilespmem:$0x11E00] =	vst v63  }
0xbe: {  	p0 =	por $0x0, $0x0;
	s5 =	smov.u32 s8  }
.LBB2_19:
0xbf: {  	p6 =	seq.s32 s5, $0x1  }
.Ltmp22:
0xc0: {  	_ = 	snop;
	(pc) =	sbr.rel @p6 .LBB2_32-.Ltmp22, $3  }
0xc1: {  	_ =	sdelay $0x1  }
0xc2: {  	p5 =	seq.s32 s5, $0x2;
	p4 =	seq.s32 s5, $0x3;
	p3 =	seq.s32 s5, $0x4  }
0xc3: {  	p2 =	seq.s32 s5, $0x5;
	p1 =	seq.s32 s5, $0x6;
	p0 =	seq.s32 s5, $0x7  }
0xc4: {  	s9 =	simm.s32 @!p0 $0x0  }
0xc5: {  	s9 =	simm.s32 @p0 $0x1;
	p0 =	sne.s32 s5, $0x0  }
.Ltmp23:
0xc6: {  	_ = 	snop;
	(pc) =	sbr.rel @p0 .LBB2_21-.Ltmp23, $2  }
0xc7: {  	_ =	sdelay $0x2  }
0xc8: {  	[smem:$0x7FD] =	sst s9  }
.Ltmp24:
0xc9: {  	(pc) =	sbr.rel .LBB2_29-.Ltmp24, $2  }
0xca: {  	s5 =	sld [smem:$0x7FD];
	_ =	sdelay $0x2  }
0xcb: {  	p0 =	seq.s32 s5, $0x1  }
.LBB2_21:
0xcc: {  	s5 =	sld [smem:$0x7FD];
	_ =	sdelay $0x2  }
0xcd: {  	p0 =	seq.s32 s5, $0x1  }
.LBB2_22:
.Ltmp25:
0xce: {  	(pc) =	sbr.rel @!p5 .LBB2_23-.Ltmp25, $2  }
0xcf: {  	_ =	sdelay $0x2  }
0xd0: {  	s5 =	smov.u32 s8  }
.LBB2_34:
0xd1: {  	_ =	swait.ge [sflag:s19], $0x1000  }
0xd2: {  	s9 =	sshra.s32 s5, $0x2;
	[sflag:s19] =	ssyncset.done $0x0  }
.Ltmp26:
0xd3: {  	s9 =	sadd.s32 $0x2780, s9;
	[sflag:s19] =	ssyncadd.s32 $0xFFFFF000;
	(pc) =	sbr.rel @!p4 .LBB2_24-.Ltmp26, $4  }
0xd4: {  	[spmem:s2] =	stream.indirect.scatter.add.f32 [tilespmem:s20], [sflag:$0xA], $0x20, s9, s17, $0xb8;
	[tilespmem:$0x11E00] =	vst v63  }
0xd5: {  	_ =	swait.ge [sflag:s0], $0x1000  }
0xd6: {  	[sflag:s0] =	ssyncset.done $0x0  }
0xd7: {  	[sflag:s0] =	ssyncadd.s32 $0xFFFFF000  }
.LBB2_35:
0xd8: {  	_ =	swait.ge [sflag:s21], $0x1000  }
0xd9: {  	s9 =	sshra.s32 s5, $0x2;
	[sflag:s21] =	ssyncset.done $0x0  }
.Ltmp27:
0xda: {  	s9 =	sadd.s32 $0x2780, s9;
	[sflag:s21] =	ssyncadd.s32 $0xFFFFF000;
	(pc) =	sbr.rel @!p3 .LBB2_25-.Ltmp27, $4  }
0xdb: {  	[spmem:s2] =	stream.indirect.scatter.add.f32 [tilespmem:s22], [sflag:$0xA], $0x20, s9, s17, $0xb8;
	[tilespmem:$0x11E00] =	vst v63  }
0xdc: {  	_ =	swait.ge [sflag:s0], $0x1000  }
0xdd: {  	[sflag:s0] =	ssyncset.done $0x0  }
0xde: {  	[sflag:s0] =	ssyncadd.s32 $0xFFFFF000  }
.LBB2_36:
0xdf: {  	_ =	swait.ge [sflag:s23], $0x1000  }
0xe0: {  	s9 =	sshra.s32 s5, $0x2;
	[sflag:s23] =	ssyncset.done $0x0  }
.Ltmp28:
0xe1: {  	s9 =	sadd.s32 $0x2780, s9;
	[sflag:s23] =	ssyncadd.s32 $0xFFFFF000;
	(pc) =	sbr.rel @!p2 .LBB2_26-.Ltmp28, $4  }
0xe2: {  	[spmem:s2] =	stream.indirect.scatter.add.f32 [tilespmem:s24], [sflag:$0xA], $0x20, s9, s17, $0xb8;
	[tilespmem:$0x11E00] =	vst v63  }
0xe3: {  	_ =	swait.ge [sflag:s0], $0x1000  }
0xe4: {  	[sflag:s0] =	ssyncset.done $0x0  }
0xe5: {  	[sflag:s0] =	ssyncadd.s32 $0xFFFFF000  }
.LBB2_37:
0xe6: {  	_ =	swait.ge [sflag:s25], $0x1000  }
0xe7: {  	s9 =	sshra.s32 s5, $0x2;
	[sflag:s25] =	ssyncset.done $0x0  }
.Ltmp29:
0xe8: {  	s9 =	sadd.s32 $0x2780, s9;
	[sflag:s25] =	ssyncadd.s32 $0xFFFFF000;
	(pc) =	sbr.rel @!p1 .LBB2_27-.Ltmp29, $4  }
0xe9: {  	[spmem:s2] =	stream.indirect.scatter.add.f32 [tilespmem:s26], [sflag:$0xA], $0x20, s9, s17, $0xb8;
	[tilespmem:$0x11E00] =	vst v63  }
0xea: {  	_ =	swait.ge [sflag:s0], $0x1000  }
0xeb: {  	[sflag:s0] =	ssyncset.done $0x0  }
0xec: {  	[sflag:s0] =	ssyncadd.s32 $0xFFFFF000  }
.LBB2_38:
0xed: {  	_ =	swait.ge [sflag:s28], $0x1000  }
0xee: {  	s9 =	sshra.s32 s5, $0x2;
	[sflag:s28] =	ssyncset.done $0x0  }
0xef: {  	s9 =	sadd.s32 $0x2780, s9;
	[sflag:s28] =	ssyncadd.s32 $0xFFFFF000  }
0xf0: {  	[spmem:s2] =	stream.indirect.scatter.add.f32 [tilespmem:s29], [sflag:$0xA], $0x20, s9, s17, $0xb8;
	[tilespmem:$0x11E00] =	vst v63  }
.Ltmp30:
0xf1: {  	_ = 	snop;
	(pc) =	sbr.rel @!p0 .LBB2_40-.Ltmp30, $4  }
.Ltmp31:
0xf2: {  	_ = 	snop;
	(pc) =	sbr.rel @p0 .LBB2_39-.Ltmp31, $4  }
0xf3: {  	_ =	swait.ge [sflag:s0], $0x1000  }
0xf4: {  	[sflag:s0] =	ssyncset.done $0x0  }
0xf5: {  	[sflag:s0] =	ssyncadd.s32 $0xFFFFF000  }
0xf6: {  	_ = 	snop  }
.LBB2_23:
.Ltmp32:
0xf7: {  	(pc) =	sbr.rel @p4 .LBB2_35-.Ltmp32, $2  }
0xf8: {  	_ =	sdelay $0x2  }
0xf9: {  	s5 =	smov.u32 s8  }
.LBB2_24:
.Ltmp33:
0xfa: {  	(pc) =	sbr.rel @p3 .LBB2_36-.Ltmp33, $2  }
0xfb: {  	_ =	sdelay $0x2  }
0xfc: {  	s5 =	smov.u32 s8  }
.LBB2_25:
.Ltmp34:
0xfd: {  	(pc) =	sbr.rel @p2 .LBB2_37-.Ltmp34, $2  }
0xfe: {  	_ =	sdelay $0x2  }
0xff: {  	s5 =	smov.u32 s8  }
.LBB2_26:
.Ltmp35:
0x100: {  	(pc) =	sbr.rel @p1 .LBB2_38-.Ltmp35, $2  }
0x101: {  	_ =	sdelay $0x2  }
0x102: {  	s5 =	smov.u32 s8  }
.LBB2_27:
.Ltmp36:
0x103: {  	(pc) =	sbr.rel @!p0 .LBB2_40-.Ltmp36, $4  }
.Ltmp37:
0x104: {  	(pc) =	sbr.rel @p0 .LBB2_39-.Ltmp37, $4  }
0x105: {  	_ = 	snop  }
0x106: {  	_ = 	snop  }
0x107: {  	s5 =	smov.u32 s8  }
0x108: {  	_ = 	snop  }
.LBB2_42:
0x109: {  	_ =	sfence.sel $0x180000  }
0x10a: {  	[bflag:$0x0] =	sbarrier.arrive $0xFFFF  }
0x10b: {  	_ =	strace $0x9000004A  }
0x10c: {  	s0 =	stileid.u32;
	[bflag:$0x2] =	sbarrier.arrive $0xFFFF  }
0x10d: {  	p0 =	sne.s32 s0, $0x0;
	s0 =	rddreg [dreg:$0x2]  }
0x10e: {  	s0 =	sadd.s32 @!p0 $0x100000, s0  }
0x10f: {  	[sflag:s0] =	ssyncadd.tile.s32 @!p0 $0x1;
	_ =	shalt  }
.Lfunc_end2:
_tile_overlayer_lowered:
.L_overlay_start_2:
0x110: {  	(tag) =	ssettag $0x2  }
0x111: {  	s0 =	rddreg [dreg:$0x0];
	s2 =	stileid.u32  }
0x112: {  	s1 =	rddreg [dreg:$0x1];
	p0 =	sne.s32 s2, $0x0  }
0x113: {  	s3 =	rddreg [dreg:$0x2];
	[bflag:$0x3] =	sbarrier.arrive $0xFFFF;
	s2 =	simm.s32 @!p0 $0x1C09  }
0x114: {  	[timem:s3], [sflag:s2] =	dma.local @!p0 [hbm:s0], s1  }
0x115: {  	s0 =	simm.s32 @!p0 $0x9  }
0x116: {  	_ =	swait.ge @!p0 [sflag:s0], s1  }
0x117: {  	s1 =	ssub.s32 @!p0 $0x0, s1;
	[sflag:s0] =	ssyncset.done @!p0 $0x0  }
0x118: {  	[sflag:s0] =	ssyncadd.s32 @!p0 s1  }
0x119: {  	[bflag:$0x3] =	sbarrier.arrive $0xFFFF  }
0x11a: {  	_ =	shalt  }

// kernel: kernel.7.cloned.1.call-start
scs
__scs_entry_jumppad:
0x0: {  	(pc) =	sbr.rel $0x88, $3  }
0x1: {  	(tag) =	ssettag $0x0;
	lr =	simm.s32 $0x1  }
0x2: {  	[smem:$0x3F94] =	sst lr;
	_ =	strace $0xD0000000  }
0x3: {  	_ = 	snop  }
0x4: {  	_ = 	snop  }
0x5: {  	_ = 	snop  }
0x6: {  	_ = 	snop  }
0x7: {  	_ = 	snop  }
__scs_overlays_trampoline_lowered:
0x8: {  	[smem:$0x3FA3] =	sst s0  }
0x9: {  	[smem:$0x3FA4] =	sst s1  }
0xa: {  	[smem:$0x3FA5] =	sst s2  }
0xb: {  	[smem:$0x3FA6] =	sst s3  }
0xc: {  	[smem:$0x3FA7] =	sst s4  }
0xd: {  	[smem:$0x3FA8] =	sst s5  }
0xe: {  	[smem:$0x3FA9] =	sst s6  }
0xf: {  	[smem:$0x3FAA] =	sst s7  }
0x10: {  	[smem:$0x3FAB] =	sst s8  }
0x11: {  	[smem:$0x3FAC] =	sst s9;
	s0 =	simm.s32 @!p0 $0x0  }
0x12: {  	s1 =	sld [smem:$0x3F92];
	s0 =	simm.s32 @p0 $0x1  }
0x13: {  	[smem:$0x3FAD] =	sst s0;
	s0 =	simm.s32 @!p1 $0x0  }
0x14: {  	s2 =	sld [smem:$0x3F91];
	s0 =	simm.s32 @p1 $0x1  }
0x15: {  	[smem:$0x3FAE] =	sst s0;
	s0 =	simm.s32 @!p2 $0x0  }
0x16: {  	s3 =	sld [smem:$0x3FDB];
	s0 =	simm.s32 @p2 $0x1  }
0x17: {  	s4 =	simm.s32 $0x1BF5;
	[smem:$0x3FB0] =	sst s0  }
0x18: {  	s0 =	sld [smem:$0x3F93];
	_ =	swait.ge [sflag:s4], $0x0  }
0x19: {  	s7 =	sld [smem:$0x3F94]  }
0x1a: {  	s8 =	sadd.s32 $0xFFFFE003, lr  }
0x1b: {  	s9 =	sadd.s32 $0xFFFFFEF7, lr;
	s5 =	simm.s32 $0xFFFFFFFF;
	p2 =	slt.u32 s8, $0xFFFFF086  }
0x1c: {  	p1 =	slt.u32 s9, $0xF7A;
	s5 =	simm.s32 @!p2 $0x0  }
0x1d: {  	s5 =	simm.s32 @p1 $0x1;
	p0 =	seq.s32 s7, s2  }
0x1e: {  	s7 =	smul.u32 @!p0 $0xF7A, s2;
	p2 =	seq.s32 @!p0 s5, $0x0  }
0x1f: {  	s9 =	smul.u32 $0xF7A, s1;
	s8 =	simm.s32 @!p0 $0x1BF5;
	p2 =	por !p2, p0  }
0x20: {  	[sflag:s8] =	ssyncset.s32 @!p0 $0xFFFFF086;
	s6 =	sadd.s32 @!p0 s3, s7;
	s7 =	simm.s32 @!p0 $0x108  }
0x21: {  	s3 =	sadd.s32 s3, s9;
	s6 =	sadd.s32 @!p0 $0x88, s6;
	s7 =	simm.s32 @p2 $0x1082  }
0x22: {  	[simem:s7], [sflag:s8] =	dma.local @!p0 [hbm:s6], $0xF7A  }
0x23: {  	s9 =	sor.u32 $0xD0000000, s2;
	s6 =	simm.s32 $0x108;
	_ =	swait.ge @!p0 [sflag:s8], $0x0  }
0x24: {  	s3 =	sadd.s32 $0x88, s3;
	s6 =	simm.s32 @!p1 $0x1082;
	[sflag:s4] =	ssyncset.s32 $0xFFFFF086  }
0x25: {  	[simem:s6], [sflag:s4] =	dma.local [hbm:s3], $0xF7A  }
0x26: {  	[smem:$0x3F94] =	sst s1;
	(tag) =	ssettag s2;
	_ =	strace s9  }
0x27: {  	s1 =	sld [smem:$0x3FA4]  }
0x28: {  	s2 =	sld [smem:$0x3FA5]  }
0x29: {  	s4 =	sld [smem:$0x3FA7]  }
0x2a: {  	p0 =	seq.s32 s5, $0x0;
	s5 =	sld [smem:$0x3FA8]  }
0x2b: {  	s6 =	sld [smem:$0x3FA9]  }
0x2c: {  	s7 =	sld [smem:$0x3FAA]  }
0x2d: {  	s3 =	simm.s32 $0x108;
	s8 =	sld [smem:$0x3FAB]  }
0x2e: {  	s3 =	simm.s32 @!p0 $0x1082;
	s9 =	sld [smem:$0x3FAC]  }
0x2f: {  	lr =	sadd.s32 s0, s3;
	s0 =	sld [smem:$0x3FA3]  }
0x30: {  	s3 =	sld [smem:$0x3FA6]  }
0x31: {  	[smem:$0x3FAF] =	sst s10  }
0x32: {  	s10 =	sld [smem:$0x3FAD];
	_ =	sdelay $0x3  }
0x33: {  	p0 =	seq.s32 s10, $0x1;
	s10 =	sld [smem:$0x3FAF];
	_ =	sdelay $0x3  }
0x34: {  	[smem:$0x3FAF] =	sst s10  }
0x35: {  	s10 =	sld [smem:$0x3FAE];
	_ =	sdelay $0x3  }
0x36: {  	p1 =	seq.s32 s10, $0x1;
	s10 =	sld [smem:$0x3FAF];
	_ =	sdelay $0x3  }
0x37: {  	[smem:$0x3FAF] =	sst s10  }
0x38: {  	s10 =	sld [smem:$0x3FB0]  }
0x39: {  	_ = 	snop;
	(pc) =	sbr.ind lr, $3  }
0x3a: {  	_ = 	snop  }
0x3b: {  	_ = 	snop  }
0x3c: {  	p2 =	seq.s32 s10, $0x1;
	s10 =	sld [smem:$0x3FAF]  }
0x3d: {  	_ =	shalt  }
0x3e: {  	_ =	shalt  }
0x3f: {  	_ =	shalt  }
0x40: {  	_ =	shalt  }
0x41: {  	_ =	shalt  }
0x42: {  	_ =	shalt  }
0x43: {  	_ =	shalt  }
0x44: {  	_ =	shalt  }
0x45: {  	_ =	shalt  }
0x46: {  	_ =	shalt  }
0x47: {  	_ =	shalt  }
0x48: {  	_ =	shalt  }
0x49: {  	_ =	shalt  }
0x4a: {  	_ =	shalt  }
0x4b: {  	_ =	shalt  }
0x4c: {  	_ =	shalt  }
0x4d: {  	_ =	shalt  }
0x4e: {  	_ =	shalt  }
0x4f: {  	_ =	shalt  }
0x50: {  	_ =	shalt  }
0x51: {  	_ =	shalt  }
0x52: {  	_ =	shalt  }
0x53: {  	_ =	shalt  }
0x54: {  	_ =	shalt  }
0x55: {  	_ =	shalt  }
0x56: {  	_ =	shalt  }
0x57: {  	_ =	shalt  }
0x58: {  	_ =	shalt  }
0x59: {  	_ =	shalt  }
0x5a: {  	_ =	shalt  }
0x5b: {  	_ =	shalt  }
0x5c: {  	_ =	shalt  }
0x5d: {  	_ =	shalt  }
0x5e: {  	_ =	shalt  }
0x5f: {  	_ =	shalt  }
0x60: {  	_ =	shalt  }
0x61: {  	_ =	shalt  }
0x62: {  	_ =	shalt  }
0x63: {  	_ =	shalt  }
0x64: {  	_ =	shalt  }
0x65: {  	_ =	shalt  }
0x66: {  	_ =	shalt  }
0x67: {  	_ =	shalt  }
0x68: {  	_ =	shalt  }
0x69: {  	_ =	shalt  }
0x6a: {  	_ =	shalt  }
0x6b: {  	_ =	shalt  }
0x6c: {  	_ =	shalt  }
0x6d: {  	_ =	shalt  }
0x6e: {  	_ =	shalt  }
0x6f: {  	_ =	shalt  }
0x70: {  	_ =	shalt  }
0x71: {  	_ =	shalt  }
0x72: {  	_ =	shalt  }
0x73: {  	_ =	shalt  }
0x74: {  	_ =	shalt  }
0x75: {  	_ =	shalt  }
0x76: {  	_ =	shalt  }
0x77: {  	_ =	shalt  }
0x78: {  	_ =	shalt  }
0x79: {  	_ =	shalt  }
0x7a: {  	_ =	shalt  }
0x7b: {  	_ =	shalt  }
0x7c: {  	_ =	shalt  }
0x7d: {  	_ =	shalt  }
0x7e: {  	_ =	shalt  }
0x7f: {  	_ =	shalt  }
0x80: {  	_ =	shalt  }
0x81: {  	_ =	shalt  }
0x82: {  	_ =	shalt  }
0x83: {  	_ =	shalt  }
0x84: {  	_ =	shalt  }
0x85: {  	_ =	shalt  }
0x86: {  	_ =	shalt  }
0x87: {  	_ =	shalt  }
.Lfunc_end0:
.L_simem_size_0:
called_computation_lowered:
.L_overlay_start_0:
0x88: {  	s2 =	sld [smem:$0x3FD9]  }
0x89: {  	s3 =	sld [smem:$0x3FFE];
	_ =	sdelay $0x1  }
0x8a: {  	s1 =	srdreg.scid  }
0x8b: {  	s0 =	sand.u32 $0x1, s1  }
0x8c: {  	s16 =	sshll.u32 s0, $0xA;
	s2 =	sadd.s32 s3, s2  }
0x8d: {  	s2 =	sadd.s32 s2, s16  }
0x8e: {  	[smem:$0x3FBB] =	sst s2  }
0x8f: {  	_ = 	snop  }
0x90: {  	(tm) =	ssettm $0x1  }
0x91: {  	s17 =	sld [smem:$0x3FFB];
	_ =	sdelay $0x3  }
0x92: {  	_ =	strace s17  }
0x93: {  	s2 =	sld [smem:$0x3FFC];
	_ =	sdelay $0x3  }
0x94: {  	_ =	strace s2  }
0x95: {  	s2 =	sld [smem:$0x3FFD];
	_ =	sdelay $0x3  }
0x96: {  	_ =	strace s2  }
0x97: {  	_ =	strace $0x8FFFFFFF  }
0x98: {  	s18 =	sld [smem:$0x3FDB];
	_ =	sdelay $0x1  }
0x99: {  	s19 =	simm.s32 $_scs_section_size  }
0x9a: {  	s4 =	simm.s32 $_size__tile_overlayer_lowered;
	s5 =	simm.s32 $_tile_overlayer_lowered  }
0x9b: {  	s22 =	simm.s32 $0x1BFF;
	s21 =	sshll.u32 s5, $0x1;
	s2 =	sadd.s32 s19, s18  }
0x9c: {  	s6 =	simm.s32 $0x0;
	s20 =	sshll.u32 s4, $0x1;
	s4 =	sadd.s32 s21, s2  }
0x9d: {  	[timem:s6], [sflag:s22] =	dma.local [hbm:s4], s20  }
0x9e: {  	_ =	swait.ge [sflag:s22], s20  }
0x9f: {  	s3 =	ssub.s32 $0x0, s20;
	[sflag:s22] =	ssyncset.done $0x0  }
0xa0: {  	[sflag:s22] =	ssyncadd.s32 s3;
	_ =	sdelay $0x1  }
0xa1: {  	s23 =	simm.s32 $0x1B8B  }
0xa2: {  	_ =	swait.ge [sflag:s23], $0x1  }
0xa3: {  	[sflag:s23] =	ssyncset.done $0x0  }
0xa4: {  	s25 =	simm.s32 $0x1B8E;
	s24 =	sld [smem:$0x3FFE];
	[sflag:s23] =	ssyncadd.s32 $0xFFFFFFFF  }
0xa5: {  	s26 =	simm.s32 $execute0_lowered;
	[smem:$0x3FD2] =	sst s25  }
0xa6: {  	s4 =	sshll.u32 s26, $0x1;
	_ =	strace $0x80000046;
	[dreg:$0x1] =	wrdreg $0xFFFFFFFF  }
0xa7: {  	s28 =	simm.s32 $_size_execute0_lowered;
	s2 =	sadd.s32 s2, s4;
	[dreg:$0x0] =	wrdreg $0x0  }
0xa8: {  	s4 =	sshll.u32 s28, $0x1;
	[dreg:$0x2] =	wrdreg s2  }
0xa9: {  	[dreg:$0x3] =	wrdreg s4  }
0xaa: {  	[dreg:$0x4] =	wrdreg $0xC0  }
0xab: {  	_ =	task [dreg:s6], $0x5FFFF  }
0xac: {  	[dreg:$0x1] =	wrdreg $0xFFFFFFFF  }
0xad: {  	[dreg:$0x0] =	wrdreg $0x60  }
0xae: {  	[dreg:$0x2] =	wrdreg s24  }
0xaf: {  	[dreg:$0x3] =	wrdreg $0x9  }
0xb0: {  	_ =	task.clear_ibuf [dreg:s6], $0x4FFFF;
	_ =	strace $0x90000046  }
0xb1: {  	s29 =	simm.s32 $0x9;
	_ =	strace $0x80000048  }
0xb2: {  	_ =	swait.ge [sflag:s29], $0x1  }
0xb3: {  	[sflag:s29] =	ssyncadd.s32 $0xFFFFFFFF  }
0xb4: {  	_ =	strace $0x90000048  }
0xb5: {  	_ =	sfence  }
0xb6: {  	s30 =	sld [smem:$0x0];
	_ =	sdelay $0x2  }
0xb7: {  	s31 =	sshll.u32 s1, $0xD;
	s1 =	sshrl.u32 s1, $0x2  }
0xb8: {  	s3 =	sand.u32 $0x4000, s31;
	s1 =	sadd.s32 s1, s30  }
0xb9: {  	s0 =	sor.u32 s3, s0;
	s1 =	sshll.u32 s1, $0x11  }
0xba: {  	s0 =	sor.u32 s1, s0  }
0xbb: {  	s0 =	sadd.s32 $0x8F2B, s0  }
0xbc: {  	[sflag:s0] =	ssyncadd.remote.s32 $0x1  }
0xbd: {  	_ =	sfence.sel $0xFFFF  }
0xbe: {  	[dreg:$0x0] =	wrdreg $0xFFFFFFFF;
	(pc) =	sbr.abs _section_cstart, $3  }
0xbf: {  	[dreg:$0x1] =	wrdreg $0xFFFFFFFF  }
0xc0: {  	_ =	task.clear_ibuf [dreg:s6], $0x2FFFF;
	_ =	strace $0x9FFFFFFF  }
0xc1: {  	(tm) =	ssettm $0x7FFFFFFF  }
tec
execute0_lowered:
.L_overlay_start_1:
0x0: {  	(tag) =	ssettag $0x1  }
0x1: {  	s1 =	srdreg.scid;
	s0 =	stileid.u32  }
0x2: {  	s4 =	sand.u32 $0x1, s1;
	s2 =	sshll.u32 s0, $0x1  }
0x3: {  	s3 =	rddreg [dreg:$0x0];
	s5 =	sor.u32 s4, s2  }
0x4: {  	s7 =	simm.s32 $0x2780;
	s8 =	simm.s32 $0x0;
	s5 =	smul.u32 $0x4F0, s5  }
0x5: {  	s1 =	rddreg [dreg:$0x1];
	s2 =	simm.s32 $0x0;
	s4 =	ssub.s32 $0x2, s4  }
0x6: {  	[smem:$0x7FF] =	sst s2;
	s6 =	sshrl.u32 s4, $0x1;
	s5 =	sadd.s32 s5, s3  }
0x7: {  	_ =	strace $0x80000047;
	s6 =	ssub.s32 s4, s6;
	s3 =	sadd.s32 $0x1800, s5  }
0x8: {  	v0 =	vimm.f32 $0.0e+00;
	v1 =	vimm.f32 $1.000000000e+00;
	s4 =	sadd.s32 $0xB600, s5;
	s5 =	smax.u32 s6, $0x1;
	s6 =	simm.s32 $0x1  }
.LBB2_1:
0x9: {  	[tilespmem:s2], [sflag:$0x1] =	stream.linear.gather [hbm4b:s3+s2], $0x2780, $0x38;
	[tilespmem:$0x4F00] =	vst v63  }
0xa: {  	_ =	swait.ge [sflag:s6], $0x2780  }
0xb: {  	[sflag:s6] =	ssyncset.done $0x0  }
0xc: {  	s11 =	simm.s32 $0x27C0;
	[sflag:s6] =	ssyncadd.s32 $0xFFFFD880  }
0xd: {  	[tilespmem:s11+$0xFFFFFFC0] =	vst v0  }
0xe: {  	[tilespmem:s11+$0x30] =	vst v0  }
0xf: {  	[tilespmem:s11+$0x20] =	vst v0  }
0x10: {  	[tilespmem:s11+$0x10] =	vst v0  }
0x11: {  	[tilespmem:s11+$0x0] =	vst v0  }
0x12: {  	[tilespmem:s11+$0xFFFFFFF0] =	vst v0  }
0x13: {  	s9 =	simm.s32 $0xFFFFFFF8;
	s12 =	simm.s32 $0x0;
	[tilespmem:s11+$0xFFFFFFE0] =	vst v0  }
.LBB2_2:
0x14: {  	s12 =	sadd.s32 $0x8, s12;
	[tilespmem:s11+$0xFFFFFFD0] =	vst v0;
	s11 =	sadd.s32 $0x80, s11;
	s10 =	simm.s32 $0x40  }
0x15: {  	[tilespmem:s11+$0xFFFFFFC0] =	vst v0;
	p0 =	slt.u32 s12, $0x270  }
0x16: {  	[tilespmem:s11+$0x30] =	vst v0  }
.Ltmp0:
0x17: {  	[tilespmem:s11+$0x20] =	vst v0;
	(pc) =	sbr.rel @p0 .LBB2_2-.Ltmp0, $4  }
0x18: {  	[tilespmem:s11+$0x10] =	vst v0  }
0x19: {  	[tilespmem:s11+$0x0] =	vst v0  }
0x1a: {  	[tilespmem:s11+$0xFFFFFFF0] =	vst v0  }
0x1b: {  	[tilespmem:s11+$0xFFFFFFE0] =	vst v0  }
0x1c: {  	[tilespmem:s11+$0xFFFFFFD0] =	vst v0  }
.LBB2_4:
0x1d: {  	v2 =	vld [tilespmem:s10+$0xFFFFFFC0];
	_ =	sdelay $0x7  }
0x1e: {  	[tilespmem:v2+s7+$0x0] =	vst.idx.add.f32.msk $0xffff, v1  }
0x1f: {  	v2 =	vld [tilespmem:s10+$0xFFFFFFD0];
	_ =	sdelay $0x7  }
0x20: {  	[tilespmem:v2+s7+$0x0] =	vst.idx.add.f32.msk $0xffff, v1  }
0x21: {  	v2 =	vld [tilespmem:s10+$0xFFFFFFE0];
	_ =	sdelay $0x7  }
0x22: {  	[tilespmem:v2+s7+$0x0] =	vst.idx.add.f32.msk $0xffff, v1  }
0x23: {  	v2 =	vld [tilespmem:s10+$0xFFFFFFF0];
	_ =	sdelay $0x7  }
0x24: {  	[tilespmem:v2+s7+$0x0] =	vst.idx.add.f32.msk $0xffff, v1  }
0x25: {  	v2 =	vld [tilespmem:s10+$0x0];
	_ =	sdelay $0x7  }
0x26: {  	[tilespmem:v2+s7+$0x0] =	vst.idx.add.f32.msk $0xffff, v1  }
0x27: {  	v2 =	vld [tilespmem:s10+$0x10];
	_ =	sdelay $0x7  }
0x28: {  	[tilespmem:v2+s7+$0x0] =	vst.idx.add.f32.msk $0xffff, v1  }
0x29: {  	v2 =	vld [tilespmem:s10+$0x20];
	_ =	sdelay $0x7  }
0x2a: {  	[tilespmem:v2+s7+$0x0] =	vst.idx.add.f32.msk $0xffff, v1  }
0x2b: {  	v2 =	vld [tilespmem:s10+$0x30];
	_ =	sdelay $0x1  }
0x2c: {  	s9 =	sadd.s32 $0x8, s9  }
0x2d: {  	p0 =	slt.u32 s9, $0x270  }
.Ltmp1:
0x2e: {  	_ = 	snop;
	(pc) =	sbr.rel @p0 .LBB2_4-.Ltmp1, $2  }
0x2f: {  	_ =	sdelay $0x2  }
0x30: {  	s10 =	sadd.s32 $0x80, s10;
	[tilespmem:v2+s7+$0x0] =	vst.idx.add.f32.msk $0xffff, v1  }
0x31: {  	s8 =	sadd.s32 $0x1, s8  }
0x32: {  	p0 =	sne.s32 s8, s5  }
.Ltmp2:
0x33: {  	_ = 	snop;
	(pc) =	sbr.rel @p0 .LBB2_1-.Ltmp2, $4  }
0x34: {  	[hbm4b:s4+s2] =	stream.linear.scatter [tilespmem:s7], [sflag:$0x1], $0x2780, $0x38;
	[tilespmem:$0x4F00] =	vst v63  }
0x35: {  	_ =	swait.ge [sflag:s6], $0x2780  }
0x36: {  	[sflag:s6] =	ssyncset.done $0x0  }
0x37: {  	[sflag:s6] =	ssyncadd.s32 $0xFFFFD880  }
0x38: {  	_ =	sfence.sel $0x180000  }
0x39: {  	[bflag:$0x0] =	sbarrier.arrive $0xFFFF  }
0x3a: {  	p0 =	sne.s32 s0, $0x0;
	_ =	strace $0x90000047  }
0x3b: {  	s0 =	sadd.s32 @!p0 $0x100000, s1;
	[bflag:$0x2] =	sbarrier.arrive $0xFFFF  }
0x3c: {  	[sflag:s0] =	ssyncadd.tile.s32 @!p0 $0x1;
	_ =	shalt  }
.Lfunc_end2:
_tile_overlayer_lowered:
.L_overlay_start_2:
0x3d: {  	(tag) =	ssettag $0x2  }
0x3e: {  	s0 =	rddreg [dreg:$0x0];
	s2 =	stileid.u32  }
0x3f: {  	s1 =	rddreg [dreg:$0x1];
	p0 =	sne.s32 s2, $0x0  }
0x40: {  	s3 =	rddreg [dreg:$0x2];
	[bflag:$0x3] =	sbarrier.arrive $0xFFFF;
	s2 =	simm.s32 @!p0 $0x1C01  }
0x41: {  	[timem:s3], [sflag:s2] =	dma.local @!p0 [hbm:s0], s1  }
0x42: {  	s0 =	simm.s32 @!p0 $0x1  }
0x43: {  	_ =	swait.ge @!p0 [sflag:s0], s1  }
0x44: {  	s1 =	ssub.s32 @!p0 $0x0, s1;
	[sflag:s0] =	ssyncset.done @!p0 $0x0  }
0x45: {  	[sflag:s0] =	ssyncadd.s32 @!p0 s1  }
0x46: {  	[bflag:$0x3] =	sbarrier.arrive $0xFFFF  }
0x47: {  	_ =	shalt  }

</sc_bundles>
